<compile_context>
chip_gen: v7x
topology: tpu7x:2x2x1
jax: 0.10.2.dev20260603
libtpu: 0.0.44.dev20260713+nightly
codegen_flags: <defaults>
</compile_context>

<pallas_src>
import functools

import jax
import jax.numpy as jnp
from jax import lax
from jax.experimental import pallas as pl
from jax.experimental.pallas import tpu as pltpu
from jax.experimental.pallas import tpu_sc as plsc

N_CENTERS = 10000
CAP = 100
FEAT = 64
BATCH = 16384
ROW = CAP * FEAT


CB = 40
NBUF = 10
NCHUNK = N_CENTERS // CB
OUTER = NCHUNK // NBUF


def _means_body(cnt_ref, grp_ref, e_ref, bank_hbm, out_ref, bufs, sems):
    grp = grp_ref[...]
    e = e_ref[...]

    def start(chunk, b):
        pltpu.make_async_copy(
            bank_hbm.at[pl.ds(chunk * CB, CB), :], bufs.at[b], sems.at[b]
        ).start()

    for b in range(NBUF):
        start(b, b)

    def outer(o, carry):
        for b in range(NBUF):
            i = o * NBUF + b
            pltpu.make_async_copy(
                bank_hbm.at[pl.ds(i * CB, CB), :], bufs.at[b], sems.at[b]
            ).wait()
            cnt = cnt_ref[pl.ds(i * CB, CB), :]
            rows = bufs[b]
            mask = grp < cnt
            masked = jnp.where(mask, rows, 0.0)
            sums = jnp.dot(masked, e, preferred_element_type=jnp.float32)
            denom = jnp.maximum(cnt, 1).astype(jnp.float32)
            out_ref[pl.ds(i * CB, CB), :] = sums / denom
            nxt = i + NBUF

            @pl.when(nxt < NCHUNK)
            def _():
                start(nxt, b)

        return carry

    lax.fori_loop(0, OUTER, outer, 0)


def _center_means(count, bank2d, grp, e):
    cnt2 = count.reshape(N_CENTERS, 1)
    return pl.pallas_call(
        _means_body,
        in_specs=[
            pl.BlockSpec(memory_space=pltpu.VMEM),
            pl.BlockSpec(memory_space=pltpu.VMEM),
            pl.BlockSpec(memory_space=pltpu.VMEM),
            pl.BlockSpec(memory_space=pl.ANY),
        ],
        out_specs=pl.BlockSpec(memory_space=pltpu.VMEM),
        out_shape=jax.ShapeDtypeStruct((N_CENTERS, FEAT), jnp.float32),
        scratch_shapes=[
            pltpu.VMEM((NBUF, CB, ROW), jnp.float32),
            pltpu.SemaphoreType.DMA((NBUF,)),
        ],
    )(cnt2, grp, e, bank2d)



NC = 2
NS = 16
NW = NC * NS
B_PER_W = BATCH // NW
CHUNKS = B_PER_W // 16


@functools.cache
def _build_sc_gather():
    mesh = plsc.VectorSubcoreMesh(
        core_axis_name="c", subcore_axis_name="s", num_cores=NC, num_subcores=NS
    )

    @functools.partial(
        pl.kernel,
        out_type=jax.ShapeDtypeStruct((BATCH, FEAT), jnp.float32),
        mesh=mesh,
        compiler_params=pltpu.CompilerParams(
            needs_layout_passes=False, use_tc_tiling_on_sc=False
        ),
        scratch_types=[
            pltpu.VMEM((B_PER_W,), jnp.int32),
            pltpu.VMEM((N_CENTERS,), jnp.int32),
            pltpu.VMEM((B_PER_W,), jnp.int32),
            pltpu.VMEM((B_PER_W, FEAT), jnp.float32),
            pltpu.SemaphoreType.DMA,
        ],
    )
    def _sc_gather(table_hbm, ids_hbm, count_hbm, out_hbm,
                   ids_v, cnt_v, gidx_v, rows_v, sem):
        wid = lax.axis_index("s") * NC + lax.axis_index("c")
        base = wid * B_PER_W
        pltpu.sync_copy(ids_hbm.at[pl.ds(base, B_PER_W)], ids_v)
        pltpu.sync_copy(count_hbm, cnt_v)

        lanes = lax.iota(jnp.int32, 16)

        def chunk(j, carry):
            cidx = ids_v[pl.ds(j * 16, 16)]
            cnt16 = plsc.load_gather(cnt_v, [cidx])
            fb_rows = (N_CENTERS + base + j * 16) + lanes
            gidx_v[pl.ds(j * 16, 16)] = jnp.where(cnt16 > 0, cidx, fb_rows)
            return carry

        lax.fori_loop(0, CHUNKS, chunk, 0)

        pltpu.async_copy(table_hbm.at[gidx_v], rows_v, sem).wait()
        pltpu.sync_copy(rows_v, out_hbm.at[pl.ds(base, B_PER_W)])

    return _sc_gather




@functools.cache
def _consts():
    fallback = jax.random.normal(
        jax.random.key(1), (BATCH, FEAT), dtype=jnp.float32
    )
    grp = (jnp.arange(ROW, dtype=jnp.int32) // FEAT)[None, :]
    e = (
        (jnp.arange(ROW, dtype=jnp.int32)[:, None] % FEAT)
        == jnp.arange(FEAT, dtype=jnp.int32)[None, :]
    ).astype(jnp.float32)
    return (
        jax.block_until_ready(fallback),
        jax.block_until_ready(grp),
        jax.block_until_ready(e),
    )




@jax.jit
def _run(target_center_ids, bank, count, fallback, grp, e):
    bank2d = bank.reshape(N_CENTERS, ROW)
    means = _center_means(count, bank2d, grp, e)
    table = jnp.concatenate([means, fallback], axis=0)
    return _build_sc_gather()(table, target_center_ids, count)


def kernel(target_center_ids, bank, count):
    fallback, grp, e = _consts()
    return _run(target_center_ids, bank, count, fallback, grp, e)

# --- scband reference (transcript-rebuilt; emitter-appended) ---
"""Pipeline reference for scband-noise-memory-bank-32512902431375 (READ-ONLY COPY).

The authoritative reference and input builder live on the scoring server;
editing this copy changes nothing except your own understanding.
"""

import jax, jax.numpy as jnp
import numpy as np

NUM_CENTERS = 10000
CAPACITY = 100
FEAT_DIM = 64
BATCH = 16384


def setup_inputs(seed: int = 0) -> dict:
    key = jax.random.key(seed)
    k1, k2, k3 = jax.random.split(key, 3)
    target_center_ids = jax.random.randint(k1, (BATCH,), 0, NUM_CENTERS, dtype=jnp.int32)
    # buffers of the module, materialized as inputs
    bank = jax.random.normal(k2, (NUM_CENTERS, CAPACITY, FEAT_DIM), dtype=jnp.float32)
    count = jax.random.randint(k3, (NUM_CENTERS,), 0, CAPACITY, dtype=jnp.int32)
    return {"target_center_ids": target_center_ids, "bank": bank, "count": count}


def reference(target_center_ids, bank, count):
    # Faithful vectorized translation of get_counterfactual_noise(strategy='mean'):
    #   for each sample i with center c = target_center_ids[i]:
    #     if count[c] == 0: out[i] = randn(feat_dim)
    #     else:             out[i] = bank[c, :count[c]].mean(dim=0)
    B = target_center_ids.shape[0]
    capacity = bank.shape[1]
    feat_dim = bank.shape[2]
    cnt = jnp.take(count, target_center_ids, axis=0)              # [B]
    rows = jnp.take(bank, target_center_ids, axis=0)              # [B, capacity, feat_dim] gather
    mask = (jnp.arange(capacity)[None, :] < cnt[:, None]).astype(bank.dtype)  # [B, capacity]
    sums = jnp.sum(rows * mask[:, :, None], axis=1)               # [B, feat_dim]
    denom = jnp.maximum(cnt, 1).astype(bank.dtype)[:, None]
    means = sums / denom
    fallback = jax.random.normal(jax.random.key(1), (B, feat_dim), dtype=bank.dtype)
    out = jnp.where((cnt > 0)[:, None], means, fallback)
    return out

if __name__ == "__main__":
    import jax
    _d = setup_inputs()
    print(jax.jit(kernel)(*tuple(_d.values())))

</pallas_src>

<mosaic_0001>
#map = affine_map<(d0, d1) -> (0, 0)>
#map1 = affine_map<(d0, d1) -> (0)>
module attributes {stable_mosaic.version = 14 : i64} {
  func.func @_sc_gather(%arg0: i32, %arg1: i32, %arg2: memref<26384x64xf32, #tpu.memory_space<hbm>>, %arg3: memref<16384xi32, #tpu.memory_space<hbm>>, %arg4: memref<10000xi32, #tpu.memory_space<hbm>>, %arg5: memref<16384x64xf32, #tpu.memory_space<hbm>>, %arg6: memref<512xi32, #tpu.memory_space<vmem>>, %arg7: memref<10000xi32, #tpu.memory_space<vmem>>, %arg8: memref<512xi32, #tpu.memory_space<vmem>>, %arg9: memref<512x64xf32, #tpu.memory_space<vmem>>, %arg10: memref<!tpu.dma_semaphore, #tpu.memory_space<semaphore_mem>>) attributes {dimension_semantics = [#tpu.dimension_semantics<core_parallel>, #tpu.dimension_semantics<subcore_parallel>], iteration_bounds = array<i64: 2, 16>, scalar_prefetch = 0 : i64, scratch_operands = 5 : i64, tpu.core_type = #tpu.core_type<sc_vector_subcore>, window_params = [{transform_indices = #map}, {transform_indices = #map1}, {transform_indices = #map1}, {transform_indices = #map}]} {
    %mul3A = arith.constant 2 : i32
    %mul3A_0 = arith.muli %arg1, %mul3A : i32
    %add3A = arith.addi %mul3A_0, %arg0 : i32
    %mul3A_1 = arith.constant 512 : i32
    %mul3A_2 = arith.muli %add3A, %mul3A_1 : i32
    "tpu.region"() ({
      %run_scoped3A = tpu.sem_alloc : memref<!tpu.dma_semaphore, #tpu.memory_space<semaphore_mem>>
      %dma_start3A_12 = tpu.memref_slice %arg3[%mul3A_2] : memref<16384xi32, #tpu.memory_space<hbm>> -> memref<512xi32, #tpu.memory_space<hbm>>
      %dma_start3A_13 = tpu.memref_slice %arg3[%mul3A_2] : memref<16384xi32, #tpu.memory_space<hbm>> -> memref<512xi32, #tpu.memory_space<hbm>>
      tpu.enqueue_dma source(%dma_start3A_13 : memref<512xi32, #tpu.memory_space<hbm>>) target(%arg6 : memref<512xi32, #tpu.memory_space<vmem>>) target_semaphore(%run_scoped3A : memref<!tpu.dma_semaphore, #tpu.memory_space<semaphore_mem>>)
      %dma_wait3A_14 = tpu.memref_slice %arg3[%mul3A_2] : memref<16384xi32, #tpu.memory_space<hbm>> -> memref<512xi32, #tpu.memory_space<hbm>>
      %dma_wait3A_15 = tpu.memref_slice %arg3[%mul3A_2] : memref<16384xi32, #tpu.memory_space<hbm>> -> memref<512xi32, #tpu.memory_space<hbm>>
      tpu.wait_dma2 semaphore(%run_scoped3A : memref<!tpu.dma_semaphore, #tpu.memory_space<semaphore_mem>>) src(%dma_wait3A_15 : memref<512xi32, #tpu.memory_space<hbm>>) dst(%arg6 : memref<512xi32, #tpu.memory_space<vmem>>)
      tpu.yield
    }) : () -> ()
    "tpu.region"() ({
      %run_scoped3A = tpu.sem_alloc : memref<!tpu.dma_semaphore, #tpu.memory_space<semaphore_mem>>
      tpu.enqueue_dma source(%arg4 : memref<10000xi32, #tpu.memory_space<hbm>>) target(%arg7 : memref<10000xi32, #tpu.memory_space<vmem>>) target_semaphore(%run_scoped3A : memref<!tpu.dma_semaphore, #tpu.memory_space<semaphore_mem>>)
      tpu.wait_dma2 semaphore(%run_scoped3A : memref<!tpu.dma_semaphore, #tpu.memory_space<semaphore_mem>>) src(%arg4 : memref<10000xi32, #tpu.memory_space<hbm>>) dst(%arg7 : memref<10000xi32, #tpu.memory_space<vmem>>)
      tpu.yield
    }) : () -> ()
    %iota3A = tpu.iota {dimensions = array<i32: 0>} : vector<16xi32>
    %scan3A = arith.constant 0 : i32
    %scan3A_3 = arith.constant 0 : i32
    %scan3A_4 = arith.constant 32 : i32
    %scan3A_5 = arith.addi %scan3A_3, %scan3A_4 : i32
    %scan3A_6 = arith.constant 1 : i32
    scf.for %scan3A_12 = %scan3A_3 to %scan3A_5 step %scan3A_6  : i32 {
      %mul3A_13 = arith.constant 16 : i32
      %mul3A_14 = arith.muli %scan3A_12, %mul3A_13 : i32
      %get3A = arith.index_cast %mul3A_14 : i32 to index
      %get3A_15 = tpu.vector_load %arg6[%get3A] {strides = array<i32>} : memref<512xi32, #tpu.memory_space<vmem>>, vector<16xi32>,
      %gather3A = tpu.vector_load_idx %arg7[%get3A_15] : memref<10000xi32, #tpu.memory_space<vmem>>[vector<16xi32>], vector<16xi32>,
      %add3A_16 = arith.constant 10000 : i32
      %add3A_17 = arith.addi %add3A_16, %mul3A_2 : i32
      %mul3A_18 = arith.constant 16 : i32
      %mul3A_19 = arith.muli %scan3A_12, %mul3A_18 : i32
      %add3A_20 = arith.addi %add3A_17, %mul3A_19 : i32
      %add3A_21 = vector.broadcast %add3A_20 : i32 to vector<16xi32>
      %add3A_22 = arith.addi %add3A_21, %iota3A : vector<16xi32>
      %gt3A = arith.constant 0 : i32
      %gt3A_23 = vector.broadcast %gt3A : i32 to vector<16xi32>
      %gt3A_24 = arith.cmpi sgt, %gather3A, %gt3A_23 : vector<16xi32>
      %select_n3A = arith.select %gt3A_24, %get3A_15, %add3A_22 : vector<16xi1>, vector<16xi32>
      %mul3A_25 = arith.constant 16 : i32
      %mul3A_26 = arith.muli %scan3A_12, %mul3A_25 : i32
      %swap3A = arith.index_cast %mul3A_26 : i32 to index
      %swap3A_27 = tpu.vector_load %arg8[%swap3A] {strides = array<i32>} : memref<512xi32, #tpu.memory_space<vmem>>, vector<16xi32>,
      tpu.vector_store %arg8[%swap3A], %select_n3A {strides = array<i32>} : memref<512xi32, #tpu.memory_space<vmem>>, vector<16xi32>,
    }
    %scan3A_7 = arith.constant 32 : i32
    %dma_start3A = arith.constant 0 : i32
    %dma_start3A_8 = arith.constant 0 : i32
    %dma_start3A_9 = tpu.memref_slice %arg2[%dma_start3A, %dma_start3A_8] : memref<26384x64xf32, #tpu.memory_space<hbm>> -> memref<26384x64xf32, #tpu.memory_space<hbm>>
    tpu.enqueue_indirect_dma source(%dma_start3A_9 : memref<26384x64xf32, #tpu.memory_space<hbm>>) target(%arg9 : memref<512x64xf32, #tpu.memory_space<vmem>>) offsets(%arg8 : memref<512xi32, #tpu.memory_space<vmem>>) semaphore(%arg10 : memref<!tpu.dma_semaphore, #tpu.memory_space<semaphore_mem>>)
    %dma_wait3A = arith.constant 0 : i32
    %dma_wait3A_10 = arith.constant 0 : i32
    %dma_wait3A_11 = tpu.memref_slice %arg2[%dma_wait3A, %dma_wait3A_10] : memref<26384x64xf32, #tpu.memory_space<hbm>> -> memref<26384x64xf32, #tpu.memory_space<hbm>>
    tpu.wait_indirect_dma semaphore(%arg10 : memref<!tpu.dma_semaphore, #tpu.memory_space<semaphore_mem>>) src(%dma_wait3A_11 : memref<26384x64xf32, #tpu.memory_space<hbm>>) dst(%arg9 : memref<512x64xf32, #tpu.memory_space<vmem>>)
    "tpu.region"() ({
      %run_scoped3A = tpu.sem_alloc : memref<!tpu.dma_semaphore, #tpu.memory_space<semaphore_mem>>
      %dma_start3A_12 = arith.constant 0 : i32
      %dma_start3A_13 = tpu.memref_slice %arg5[%mul3A_2, %dma_start3A_12] : memref<16384x64xf32, #tpu.memory_space<hbm>> -> memref<512x64xf32, #tpu.memory_space<hbm>>
      %dma_start3A_14 = arith.constant 0 : i32
      %dma_start3A_15 = tpu.memref_slice %arg5[%mul3A_2, %dma_start3A_14] : memref<16384x64xf32, #tpu.memory_space<hbm>> -> memref<512x64xf32, #tpu.memory_space<hbm>>
      tpu.enqueue_dma source(%arg9 : memref<512x64xf32, #tpu.memory_space<vmem>>) target(%dma_start3A_15 : memref<512x64xf32, #tpu.memory_space<hbm>>) target_semaphore(%run_scoped3A : memref<!tpu.dma_semaphore, #tpu.memory_space<semaphore_mem>>)
      %dma_wait3A_16 = arith.constant 0 : i32
      %dma_wait3A_17 = tpu.memref_slice %arg5[%mul3A_2, %dma_wait3A_16] : memref<16384x64xf32, #tpu.memory_space<hbm>> -> memref<512x64xf32, #tpu.memory_space<hbm>>
      %dma_wait3A_18 = arith.constant 0 : i32
      %dma_wait3A_19 = tpu.memref_slice %arg5[%mul3A_2, %dma_wait3A_18] : memref<16384x64xf32, #tpu.memory_space<hbm>> -> memref<512x64xf32, #tpu.memory_space<hbm>>
      tpu.wait_dma2 semaphore(%run_scoped3A : memref<!tpu.dma_semaphore, #tpu.memory_space<semaphore_mem>>) src(%arg9 : memref<512x64xf32, #tpu.memory_space<vmem>>) dst(%dma_wait3A_19 : memref<512x64xf32, #tpu.memory_space<hbm>>)
      tpu.yield
    }) : () -> ()
    return
  }
}

module attributes {stable_mosaic.version = 14 : i64} {
  func.func @_means_body(%arg0: memref<10000x1xi32, #tpu.memory_space<vmem>>, %arg1: memref<1x6400xi32, #tpu.memory_space<vmem>>, %arg2: memref<6400x64xf32, #tpu.memory_space<vmem>>, %arg3: memref<10000x6400xf32, #tpu.memory_space<any>>, %arg4: memref<10000x64xf32, #tpu.memory_space<vmem>>, %arg5: memref<10x40x6400xf32, #tpu.memory_space<vmem>>, %arg6: memref<10x!tpu.dma_semaphore, #tpu.memory_space<semaphore_mem>>) attributes {dimension_semantics = [], scalar_prefetch = 0 : i64, scratch_operands = 2 : i64, tpu.core_type = #tpu.core_type<tc>} {
    %get3A = arith.constant 0 : index
    %get3A_0 = arith.constant 0 : index
    %get3A_1 = vector.load %arg1[%get3A, %get3A_0] : memref<1x6400xi32, #tpu.memory_space<vmem>>, vector<1x6400xi32>
    %get3A_2 = arith.constant 0 : index
    %get3A_3 = arith.constant 0 : index
    %get3A_4 = vector.load %arg2[%get3A_2, %get3A_3] : memref<6400x64xf32, #tpu.memory_space<vmem>>, vector<6400x64xf32>
    %dma_start3A = arith.constant 0 : i32
    %dma_start3A_5 = arith.constant 0 : i32
    %dma_start3A_6 = tpu.memref_slice %arg6[%dma_start3A_5] : memref<10x!tpu.dma_semaphore, #tpu.memory_space<semaphore_mem>> -> memref<1x!tpu.dma_semaphore, #tpu.memory_space<semaphore_mem>>
    %dma_start3A_7 = tpu.memref_squeeze %dma_start3A_6 : memref<1x!tpu.dma_semaphore, #tpu.memory_space<semaphore_mem>> -> memref<!tpu.dma_semaphore, #tpu.memory_space<semaphore_mem>>
    %dma_start3A_8 = arith.constant 0 : i32
    %dma_start3A_9 = arith.constant 0 : i32
    %dma_start3A_10 = tpu.memref_slice %arg5[%dma_start3A, %dma_start3A_8, %dma_start3A_9] : memref<10x40x6400xf32, #tpu.memory_space<vmem>> -> memref<1x40x6400xf32, #tpu.memory_space<vmem>>
    %dma_start3A_11 = tpu.memref_squeeze %dma_start3A_10 : memref<1x40x6400xf32, #tpu.memory_space<vmem>> -> memref<40x6400xf32, #tpu.memory_space<vmem>>
    %dma_start3A_12 = arith.constant 0 : i32
    %dma_start3A_13 = arith.constant 0 : i32
    %dma_start3A_14 = tpu.memref_slice %arg3[%dma_start3A_12, %dma_start3A_13] : memref<10000x6400xf32, #tpu.memory_space<any>> -> memref<40x6400xf32, #tpu.memory_space<any>>
    tpu.enqueue_dma source(%dma_start3A_14 : memref<40x6400xf32, #tpu.memory_space<any>>) target(%dma_start3A_11 : memref<40x6400xf32, #tpu.memory_space<vmem>>) target_semaphore(%dma_start3A_7 : memref<!tpu.dma_semaphore, #tpu.memory_space<semaphore_mem>>)
    %dma_start3A_15 = arith.constant 1 : i32
    %dma_start3A_16 = arith.constant 1 : i32
    %dma_start3A_17 = tpu.memref_slice %arg6[%dma_start3A_16] : memref<10x!tpu.dma_semaphore, #tpu.memory_space<semaphore_mem>> -> memref<1x!tpu.dma_semaphore, #tpu.memory_space<semaphore_mem>>
    %dma_start3A_18 = tpu.memref_squeeze %dma_start3A_17 : memref<1x!tpu.dma_semaphore, #tpu.memory_space<semaphore_mem>> -> memref<!tpu.dma_semaphore, #tpu.memory_space<semaphore_mem>>
    %dma_start3A_19 = arith.constant 0 : i32
    %dma_start3A_20 = arith.constant 0 : i32
    %dma_start3A_21 = tpu.memref_slice %arg5[%dma_start3A_15, %dma_start3A_19, %dma_start3A_20] : memref<10x40x6400xf32, #tpu.memory_space<vmem>> -> memref<1x40x6400xf32, #tpu.memory_space<vmem>>
    %dma_start3A_22 = tpu.memref_squeeze %dma_start3A_21 : memref<1x40x6400xf32, #tpu.memory_space<vmem>> -> memref<40x6400xf32, #tpu.memory_space<vmem>>
    %dma_start3A_23 = arith.constant 40 : i32
    %dma_start3A_24 = arith.constant 0 : i32
    %dma_start3A_25 = tpu.memref_slice %arg3[%dma_start3A_23, %dma_start3A_24] : memref<10000x6400xf32, #tpu.memory_space<any>> -> memref<40x6400xf32, #tpu.memory_space<any>>
    tpu.enqueue_dma source(%dma_start3A_25 : memref<40x6400xf32, #tpu.memory_space<any>>) target(%dma_start3A_22 : memref<40x6400xf32, #tpu.memory_space<vmem>>) target_semaphore(%dma_start3A_18 : memref<!tpu.dma_semaphore, #tpu.memory_space<semaphore_mem>>)
    %dma_start3A_26 = arith.constant 2 : i32
    %dma_start3A_27 = arith.constant 2 : i32
    %dma_start3A_28 = tpu.memref_slice %arg6[%dma_start3A_27] : memref<10x!tpu.dma_semaphore, #tpu.memory_space<semaphore_mem>> -> memref<1x!tpu.dma_semaphore, #tpu.memory_space<semaphore_mem>>
    %dma_start3A_29 = tpu.memref_squeeze %dma_start3A_28 : memref<1x!tpu.dma_semaphore, #tpu.memory_space<semaphore_mem>> -> memref<!tpu.dma_semaphore, #tpu.memory_space<semaphore_mem>>
    %dma_start3A_30 = arith.constant 0 : i32
    %dma_start3A_31 = arith.constant 0 : i32
    %dma_start3A_32 = tpu.memref_slice %arg5[%dma_start3A_26, %dma_start3A_30, %dma_start3A_31] : memref<10x40x6400xf32, #tpu.memory_space<vmem>> -> memref<1x40x6400xf32, #tpu.memory_space<vmem>>
    %dma_start3A_33 = tpu.memref_squeeze %dma_start3A_32 : memref<1x40x6400xf32, #tpu.memory_space<vmem>> -> memref<40x6400xf32, #tpu.memory_space<vmem>>
    %dma_start3A_34 = arith.constant 80 : i32
    %dma_start3A_35 = arith.constant 0 : i32
    %dma_start3A_36 = tpu.memref_slice %arg3[%dma_start3A_34, %dma_start3A_35] : memref<10000x6400xf32, #tpu.memory_space<any>> -> memref<40x6400xf32, #tpu.memory_space<any>>
    tpu.enqueue_dma source(%dma_start3A_36 : memref<40x6400xf32, #tpu.memory_space<any>>) target(%dma_start3A_33 : memref<40x6400xf32, #tpu.memory_space<vmem>>) target_semaphore(%dma_start3A_29 : memref<!tpu.dma_semaphore, #tpu.memory_space<semaphore_mem>>)
    %dma_start3A_37 = arith.constant 3 : i32
    %dma_start3A_38 = arith.constant 3 : i32
    %dma_start3A_39 = tpu.memref_slice %arg6[%dma_start3A_38] : memref<10x!tpu.dma_semaphore, #tpu.memory_space<semaphore_mem>> -> memref<1x!tpu.dma_semaphore, #tpu.memory_space<semaphore_mem>>
    %dma_start3A_40 = tpu.memref_squeeze %dma_start3A_39 : memref<1x!tpu.dma_semaphore, #tpu.memory_space<semaphore_mem>> -> memref<!tpu.dma_semaphore, #tpu.memory_space<semaphore_mem>>
    %dma_start3A_41 = arith.constant 0 : i32
    %dma_start3A_42 = arith.constant 0 : i32
    %dma_start3A_43 = tpu.memref_slice %arg5[%dma_start3A_37, %dma_start3A_41, %dma_start3A_42] : memref<10x40x6400xf32, #tpu.memory_space<vmem>> -> memref<1x40x6400xf32, #tpu.memory_space<vmem>>
    %dma_start3A_44 = tpu.memref_squeeze %dma_start3A_43 : memref<1x40x6400xf32, #tpu.memory_space<vmem>> -> memref<40x6400xf32, #tpu.memory_space<vmem>>
    %dma_start3A_45 = arith.constant 120 : i32
    %dma_start3A_46 = arith.constant 0 : i32
    %dma_start3A_47 = tpu.memref_slice %arg3[%dma_start3A_45, %dma_start3A_46] : memref<10000x6400xf32, #tpu.memory_space<any>> -> memref<40x6400xf32, #tpu.memory_space<any>>
    tpu.enqueue_dma source(%dma_start3A_47 : memref<40x6400xf32, #tpu.memory_space<any>>) target(%dma_start3A_44 : memref<40x6400xf32, #tpu.memory_space<vmem>>) target_semaphore(%dma_start3A_40 : memref<!tpu.dma_semaphore, #tpu.memory_space<semaphore_mem>>)
    %dma_start3A_48 = arith.constant 4 : i32
    %dma_start3A_49 = arith.constant 4 : i32
    %dma_start3A_50 = tpu.memref_slice %arg6[%dma_start3A_49] : memref<10x!tpu.dma_semaphore, #tpu.memory_space<semaphore_mem>> -> memref<1x!tpu.dma_semaphore, #tpu.memory_space<semaphore_mem>>
    %dma_start3A_51 = tpu.memref_squeeze %dma_start3A_50 : memref<1x!tpu.dma_semaphore, #tpu.memory_space<semaphore_mem>> -> memref<!tpu.dma_semaphore, #tpu.memory_space<semaphore_mem>>
    %dma_start3A_52 = arith.constant 0 : i32
    %dma_start3A_53 = arith.constant 0 : i32
    %dma_start3A_54 = tpu.memref_slice %arg5[%dma_start3A_48, %dma_start3A_52, %dma_start3A_53] : memref<10x40x6400xf32, #tpu.memory_space<vmem>> -> memref<1x40x6400xf32, #tpu.memory_space<vmem>>
    %dma_start3A_55 = tpu.memref_squeeze %dma_start3A_54 : memref<1x40x6400xf32, #tpu.memory_space<vmem>> -> memref<40x6400xf32, #tpu.memory_space<vmem>>
    %dma_start3A_56 = arith.constant 160 : i32
    %dma_start3A_57 = arith.constant 0 : i32
    %dma_start3A_58 = tpu.memref_slice %arg3[%dma_start3A_56, %dma_start3A_57] : memref<10000x6400xf32, #tpu.memory_space<any>> -> memref<40x6400xf32, #tpu.memory_space<any>>
    tpu.enqueue_dma source(%dma_start3A_58 : memref<40x6400xf32, #tpu.memory_space<any>>) target(%dma_start3A_55 : memref<40x6400xf32, #tpu.memory_space<vmem>>) target_semaphore(%dma_start3A_51 : memref<!tpu.dma_semaphore, #tpu.memory_space<semaphore_mem>>)
    %dma_start3A_59 = arith.constant 5 : i32
    %dma_start3A_60 = arith.constant 5 : i32
    %dma_start3A_61 = tpu.memref_slice %arg6[%dma_start3A_60] : memref<10x!tpu.dma_semaphore, #tpu.memory_space<semaphore_mem>> -> memref<1x!tpu.dma_semaphore, #tpu.memory_space<semaphore_mem>>
    %dma_start3A_62 = tpu.memref_squeeze %dma_start3A_61 : memref<1x!tpu.dma_semaphore, #tpu.memory_space<semaphore_mem>> -> memref<!tpu.dma_semaphore, #tpu.memory_space<semaphore_mem>>
    %dma_start3A_63 = arith.constant 0 : i32
    %dma_start3A_64 = arith.constant 0 : i32
    %dma_start3A_65 = tpu.memref_slice %arg5[%dma_start3A_59, %dma_start3A_63, %dma_start3A_64] : memref<10x40x6400xf32, #tpu.memory_space<vmem>> -> memref<1x40x6400xf32, #tpu.memory_space<vmem>>
    %dma_start3A_66 = tpu.memref_squeeze %dma_start3A_65 : memref<1x40x6400xf32, #tpu.memory_space<vmem>> -> memref<40x6400xf32, #tpu.memory_space<vmem>>
    %dma_start3A_67 = arith.constant 200 : i32
    %dma_start3A_68 = arith.constant 0 : i32
    %dma_start3A_69 = tpu.memref_slice %arg3[%dma_start3A_67, %dma_start3A_68] : memref<10000x6400xf32, #tpu.memory_space<any>> -> memref<40x6400xf32, #tpu.memory_space<any>>
    tpu.enqueue_dma source(%dma_start3A_69 : memref<40x6400xf32, #tpu.memory_space<any>>) target(%dma_start3A_66 : memref<40x6400xf32, #tpu.memory_space<vmem>>) target_semaphore(%dma_start3A_62 : memref<!tpu.dma_semaphore, #tpu.memory_space<semaphore_mem>>)
    %dma_start3A_70 = arith.constant 6 : i32
    %dma_start3A_71 = arith.constant 6 : i32
    %dma_start3A_72 = tpu.memref_slice %arg6[%dma_start3A_71] : memref<10x!tpu.dma_semaphore, #tpu.memory_space<semaphore_mem>> -> memref<1x!tpu.dma_semaphore, #tpu.memory_space<semaphore_mem>>
    %dma_start3A_73 = tpu.memref_squeeze %dma_start3A_72 : memref<1x!tpu.dma_semaphore, #tpu.memory_space<semaphore_mem>> -> memref<!tpu.dma_semaphore, #tpu.memory_space<semaphore_mem>>
    %dma_start3A_74 = arith.constant 0 : i32
    %dma_start3A_75 = arith.constant 0 : i32
    %dma_start3A_76 = tpu.memref_slice %arg5[%dma_start3A_70, %dma_start3A_74, %dma_start3A_75] : memref<10x40x6400xf32, #tpu.memory_space<vmem>> -> memref<1x40x6400xf32, #tpu.memory_space<vmem>>
    %dma_start3A_77 = tpu.memref_squeeze %dma_start3A_76 : memref<1x40x6400xf32, #tpu.memory_space<vmem>> -> memref<40x6400xf32, #tpu.memory_space<vmem>>
    %dma_start3A_78 = arith.constant 240 : i32
    %dma_start3A_79 = arith.constant 0 : i32
    %dma_start3A_80 = tpu.memref_slice %arg3[%dma_start3A_78, %dma_start3A_79] : memref<10000x6400xf32, #tpu.memory_space<any>> -> memref<40x6400xf32, #tpu.memory_space<any>>
    tpu.enqueue_dma source(%dma_start3A_80 : memref<40x6400xf32, #tpu.memory_space<any>>) target(%dma_start3A_77 : memref<40x6400xf32, #tpu.memory_space<vmem>>) target_semaphore(%dma_start3A_73 : memref<!tpu.dma_semaphore, #tpu.memory_space<semaphore_mem>>)
    %dma_start3A_81 = arith.constant 7 : i32
    %dma_start3A_82 = arith.constant 7 : i32
    %dma_start3A_83 = tpu.memref_slice %arg6[%dma_start3A_82] : memref<10x!tpu.dma_semaphore, #tpu.memory_space<semaphore_mem>> -> memref<1x!tpu.dma_semaphore, #tpu.memory_space<semaphore_mem>>
    %dma_start3A_84 = tpu.memref_squeeze %dma_start3A_83 : memref<1x!tpu.dma_semaphore, #tpu.memory_space<semaphore_mem>> -> memref<!tpu.dma_semaphore, #tpu.memory_space<semaphore_mem>>
    %dma_start3A_85 = arith.constant 0 : i32
    %dma_start3A_86 = arith.constant 0 : i32
    %dma_start3A_87 = tpu.memref_slice %arg5[%dma_start3A_81, %dma_start3A_85, %dma_start3A_86] : memref<10x40x6400xf32, #tpu.memory_space<vmem>> -> memref<1x40x6400xf32, #tpu.memory_space<vmem>>
    %dma_start3A_88 = tpu.memref_squeeze %dma_start3A_87 : memref<1x40x6400xf32, #tpu.memory_space<vmem>> -> memref<40x6400xf32, #tpu.memory_space<vmem>>
    %dma_start3A_89 = arith.constant 280 : i32
    %dma_start3A_90 = arith.constant 0 : i32
    %dma_start3A_91 = tpu.memref_slice %arg3[%dma_start3A_89, %dma_start3A_90] : memref<10000x6400xf32, #tpu.memory_space<any>> -> memref<40x6400xf32, #tpu.memory_space<any>>
    tpu.enqueue_dma source(%dma_start3A_91 : memref<40x6400xf32, #tpu.memory_space<any>>) target(%dma_start3A_88 : memref<40x6400xf32, #tpu.memory_space<vmem>>) target_semaphore(%dma_start3A_84 : memref<!tpu.dma_semaphore, #tpu.memory_space<semaphore_mem>>)
    %dma_start3A_92 = arith.constant 8 : i32
    %dma_start3A_93 = arith.constant 8 : i32
    %dma_start3A_94 = tpu.memref_slice %arg6[%dma_start3A_93] : memref<10x!tpu.dma_semaphore, #tpu.memory_space<semaphore_mem>> -> memref<1x!tpu.dma_semaphore, #tpu.memory_space<semaphore_mem>>
    %dma_start3A_95 = tpu.memref_squeeze %dma_start3A_94 : memref<1x!tpu.dma_semaphore, #tpu.memory_space<semaphore_mem>> -> memref<!tpu.dma_semaphore, #tpu.memory_space<semaphore_mem>>
    %dma_start3A_96 = arith.constant 0 : i32
    %dma_start3A_97 = arith.constant 0 : i32
    %dma_start3A_98 = tpu.memref_slice %arg5[%dma_start3A_92, %dma_start3A_96, %dma_start3A_97] : memref<10x40x6400xf32, #tpu.memory_space<vmem>> -> memref<1x40x6400xf32, #tpu.memory_space<vmem>>
    %dma_start3A_99 = tpu.memref_squeeze %dma_start3A_98 : memref<1x40x6400xf32, #tpu.memory_space<vmem>> -> memref<40x6400xf32, #tpu.memory_space<vmem>>
    %dma_start3A_100 = arith.constant 320 : i32
    %dma_start3A_101 = arith.constant 0 : i32
    %dma_start3A_102 = tpu.memref_slice %arg3[%dma_start3A_100, %dma_start3A_101] : memref<10000x6400xf32, #tpu.memory_space<any>> -> memref<40x6400xf32, #tpu.memory_space<any>>
    tpu.enqueue_dma source(%dma_start3A_102 : memref<40x6400xf32, #tpu.memory_space<any>>) target(%dma_start3A_99 : memref<40x6400xf32, #tpu.memory_space<vmem>>) target_semaphore(%dma_start3A_95 : memref<!tpu.dma_semaphore, #tpu.memory_space<semaphore_mem>>)
    %dma_start3A_103 = arith.constant 9 : i32
    %dma_start3A_104 = arith.constant 9 : i32
    %dma_start3A_105 = tpu.memref_slice %arg6[%dma_start3A_104] : memref<10x!tpu.dma_semaphore, #tpu.memory_space<semaphore_mem>> -> memref<1x!tpu.dma_semaphore, #tpu.memory_space<semaphore_mem>>
    %dma_start3A_106 = tpu.memref_squeeze %dma_start3A_105 : memref<1x!tpu.dma_semaphore, #tpu.memory_space<semaphore_mem>> -> memref<!tpu.dma_semaphore, #tpu.memory_space<semaphore_mem>>
    %dma_start3A_107 = arith.constant 0 : i32
    %dma_start3A_108 = arith.constant 0 : i32
    %dma_start3A_109 = tpu.memref_slice %arg5[%dma_start3A_103, %dma_start3A_107, %dma_start3A_108] : memref<10x40x6400xf32, #tpu.memory_space<vmem>> -> memref<1x40x6400xf32, #tpu.memory_space<vmem>>
    %dma_start3A_110 = tpu.memref_squeeze %dma_start3A_109 : memref<1x40x6400xf32, #tpu.memory_space<vmem>> -> memref<40x6400xf32, #tpu.memory_space<vmem>>
    %dma_start3A_111 = arith.constant 360 : i32
    %dma_start3A_112 = arith.constant 0 : i32
    %dma_start3A_113 = tpu.memref_slice %arg3[%dma_start3A_111, %dma_start3A_112] : memref<10000x6400xf32, #tpu.memory_space<any>> -> memref<40x6400xf32, #tpu.memory_space<any>>
    tpu.enqueue_dma source(%dma_start3A_113 : memref<40x6400xf32, #tpu.memory_space<any>>) target(%dma_start3A_110 : memref<40x6400xf32, #tpu.memory_space<vmem>>) target_semaphore(%dma_start3A_106 : memref<!tpu.dma_semaphore, #tpu.memory_space<semaphore_mem>>)
    %scan3A = arith.constant 0 : i32
    %scan3A_114 = arith.constant 25 : i32
    %scan3A_115 = arith.addi %scan3A, %scan3A_114 : i32
    %scan3A_116 = arith.constant 1 : i32
    scf.for %scan3A_118 = %scan3A to %scan3A_115 step %scan3A_116  : i32 {
      %mul3A = arith.constant 10 : i32
      %mul3A_119 = arith.muli %scan3A_118, %mul3A : i32
      %add3A = arith.constant 0 : i32
      %add3A_120 = arith.addi %mul3A_119, %add3A : i32
      %mul3A_121 = arith.constant 40 : i32
      %mul3A_122 = arith.muli %add3A_120, %mul3A_121 : i32
      %dma_wait3A = arith.constant 0 : i32
      %dma_wait3A_123 = arith.constant 0 : i32
      %dma_wait3A_124 = tpu.memref_slice %arg6[%dma_wait3A_123] : memref<10x!tpu.dma_semaphore, #tpu.memory_space<semaphore_mem>> -> memref<1x!tpu.dma_semaphore, #tpu.memory_space<semaphore_mem>>
      %dma_wait3A_125 = tpu.memref_squeeze %dma_wait3A_124 : memref<1x!tpu.dma_semaphore, #tpu.memory_space<semaphore_mem>> -> memref<!tpu.dma_semaphore, #tpu.memory_space<semaphore_mem>>
      %dma_wait3A_126 = arith.constant 0 : i32
      %dma_wait3A_127 = arith.constant 0 : i32
      %dma_wait3A_128 = tpu.memref_slice %arg5[%dma_wait3A, %dma_wait3A_126, %dma_wait3A_127] : memref<10x40x6400xf32, #tpu.memory_space<vmem>> -> memref<1x40x6400xf32, #tpu.memory_space<vmem>>
      %dma_wait3A_129 = tpu.memref_squeeze %dma_wait3A_128 : memref<1x40x6400xf32, #tpu.memory_space<vmem>> -> memref<40x6400xf32, #tpu.memory_space<vmem>>
      %dma_wait3A_130 = arith.constant 0 : i32
      %dma_wait3A_131 = tpu.memref_slice %arg3[%mul3A_122, %dma_wait3A_130] : memref<10000x6400xf32, #tpu.memory_space<any>> -> memref<40x6400xf32, #tpu.memory_space<any>>
      tpu.wait_dma2 semaphore(%dma_wait3A_125 : memref<!tpu.dma_semaphore, #tpu.memory_space<semaphore_mem>>) src(%dma_wait3A_131 : memref<40x6400xf32, #tpu.memory_space<any>>) dst(%dma_wait3A_129 : memref<40x6400xf32, #tpu.memory_space<vmem>>)
      %mul3A_132 = arith.constant 40 : i32
      %mul3A_133 = arith.muli %add3A_120, %mul3A_132 : i32
      %get3A_134 = arith.index_cast %mul3A_133 : i32 to index
      %get3A_135 = arith.constant 0 : index
      %get3A_136 = vector.load %arg0[%get3A_134, %get3A_135] : memref<10000x1xi32, #tpu.memory_space<vmem>>, vector<40x1xi32>
      %get3A_137 = arith.constant 0 : index
      %get3A_138 = arith.constant 0 : index
      %get3A_139 = arith.constant 0 : index
      %get3A_140 = vector.load %arg5[%get3A_137, %get3A_138, %get3A_139] : memref<10x40x6400xf32, #tpu.memory_space<vmem>>, vector<1x40x6400xf32>
      %get3A_141 = vector.shape_cast %get3A_140 : vector<1x40x6400xf32> to vector<40x6400xf32>
      %lt3A = vector.broadcast %get3A_1 : vector<1x6400xi32> to vector<40x6400xi32>
      %lt3A_142 = vector.broadcast %get3A_136 : vector<40x1xi32> to vector<40x6400xi32>
      %lt3A_143 = arith.cmpi slt, %lt3A, %lt3A_142 : vector<40x6400xi32>
      %jit3A = arith.constant 0.000000e+00 : f32
      %broadcast_in_dim3A = vector.broadcast %jit3A : f32 to vector<40x6400xf32>
      %select_n3A = arith.select %lt3A_143, %get3A_141, %broadcast_in_dim3A : vector<40x6400xi1>, vector<40x6400xf32>
      %dot_general3A = arith.constant dense<0.000000e+00> : vector<40x64xf32>
      %dot_general3A_144 = tpu.matmul %select_n3A, %get3A_4, %dot_general3A {dimension_numbers = #tpu.dot_dimension_numbers<[1], [0], [0], [1], [0, 0, 1, 1], [], []>, transpose_lhs_hint = false} : vector<40x6400xf32>, vector<6400x64xf32>, vector<40x64xf32> -> vector<40x64xf32>
      %max3A = arith.constant 1 : i32
      %max3A_145 = vector.broadcast %max3A : i32 to vector<40x1xi32>
      %max3A_146 = arith.maxsi %get3A_136, %max3A_145 : vector<40x1xi32>
      %convert_element_type3A = arith.sitofp %max3A_146 : vector<40x1xi32> to vector<40x1xf32>
      %div3A = vector.broadcast %convert_element_type3A : vector<40x1xf32> to vector<40x64xf32>
      %div3A_147 = arith.divf %dot_general3A_144, %div3A : vector<40x64xf32>
      %mul3A_148 = arith.constant 40 : i32
      %mul3A_149 = arith.muli %add3A_120, %mul3A_148 : i32
      %swap3A = arith.index_cast %mul3A_149 : i32 to index
      %swap3A_150 = arith.constant 0 : index
      %swap3A_151 = vector.load %arg4[%swap3A, %swap3A_150] : memref<10000x64xf32, #tpu.memory_space<vmem>>, vector<40x64xf32>
      tpu.vector_store %arg4[%swap3A, %swap3A_150], %div3A_147 {strides = array<i32>} : memref<10000x64xf32, #tpu.memory_space<vmem>>, vector<40x64xf32>,
      %add3A_152 = arith.constant 10 : i32
      %add3A_153 = arith.addi %add3A_120, %add3A_152 : i32
      %lt3A_154 = arith.constant 250 : i32
      %lt3A_155 = arith.cmpi slt, %add3A_153, %lt3A_154 : i32
      %convert_element_type3A_156 = arith.extui %lt3A_155 : i1 to i32
      %cond3A = arith.constant 0 : i32
      %cond3A_157 = arith.cmpi ne, %convert_element_type3A_156, %cond3A : i32
      scf.if %cond3A_157 {
        %mul3A_626 = arith.constant 40 : i32
        %mul3A_627 = arith.muli %add3A_153, %mul3A_626 : i32
        %dma_start3A_628 = arith.constant 0 : i32
        %dma_start3A_629 = arith.constant 0 : i32
        %dma_start3A_630 = tpu.memref_slice %arg6[%dma_start3A_629] : memref<10x!tpu.dma_semaphore, #tpu.memory_space<semaphore_mem>> -> memref<1x!tpu.dma_semaphore, #tpu.memory_space<semaphore_mem>>
        %dma_start3A_631 = tpu.memref_squeeze %dma_start3A_630 : memref<1x!tpu.dma_semaphore, #tpu.memory_space<semaphore_mem>> -> memref<!tpu.dma_semaphore, #tpu.memory_space<semaphore_mem>>
        %dma_start3A_632 = arith.constant 0 : i32
        %dma_start3A_633 = arith.constant 0 : i32
        %dma_start3A_634 = tpu.memref_slice %arg5[%dma_start3A_628, %dma_start3A_632, %dma_start3A_633] : memref<10x40x6400xf32, #tpu.memory_space<vmem>> -> memref<1x40x6400xf32, #tpu.memory_space<vmem>>
        %dma_start3A_635 = tpu.memref_squeeze %dma_start3A_634 : memref<1x40x6400xf32, #tpu.memory_space<vmem>> -> memref<40x6400xf32, #tpu.memory_space<vmem>>
        %dma_start3A_636 = arith.constant 0 : i32
        %dma_start3A_637 = tpu.memref_slice %arg3[%mul3A_627, %dma_start3A_636] : memref<10000x6400xf32, #tpu.memory_space<any>> -> memref<40x6400xf32, #tpu.memory_space<any>>
        tpu.enqueue_dma source(%dma_start3A_637 : memref<40x6400xf32, #tpu.memory_space<any>>) target(%dma_start3A_635 : memref<40x6400xf32, #tpu.memory_space<vmem>>) target_semaphore(%dma_start3A_631 : memref<!tpu.dma_semaphore, #tpu.memory_space<semaphore_mem>>)
      } else {
      }
      %mul3A_158 = arith.constant 10 : i32
      %mul3A_159 = arith.muli %scan3A_118, %mul3A_158 : i32
      %add3A_160 = arith.constant 1 : i32
      %add3A_161 = arith.addi %mul3A_159, %add3A_160 : i32
      %mul3A_162 = arith.constant 40 : i32
      %mul3A_163 = arith.muli %add3A_161, %mul3A_162 : i32
      %dma_wait3A_164 = arith.constant 1 : i32
      %dma_wait3A_165 = arith.constant 1 : i32
      %dma_wait3A_166 = tpu.memref_slice %arg6[%dma_wait3A_165] : memref<10x!tpu.dma_semaphore, #tpu.memory_space<semaphore_mem>> -> memref<1x!tpu.dma_semaphore, #tpu.memory_space<semaphore_mem>>
      %dma_wait3A_167 = tpu.memref_squeeze %dma_wait3A_166 : memref<1x!tpu.dma_semaphore, #tpu.memory_space<semaphore_mem>> -> memref<!tpu.dma_semaphore, #tpu.memory_space<semaphore_mem>>
      %dma_wait3A_168 = arith.constant 0 : i32
      %dma_wait3A_169 = arith.constant 0 : i32
      %dma_wait3A_170 = tpu.memref_slice %arg5[%dma_wait3A_164, %dma_wait3A_168, %dma_wait3A_169] : memref<10x40x6400xf32, #tpu.memory_space<vmem>> -> memref<1x40x6400xf32, #tpu.memory_space<vmem>>
      %dma_wait3A_171 = tpu.memref_squeeze %dma_wait3A_170 : memref<1x40x6400xf32, #tpu.memory_space<vmem>> -> memref<40x6400xf32, #tpu.memory_space<vmem>>
      %dma_wait3A_172 = arith.constant 0 : i32
      %dma_wait3A_173 = tpu.memref_slice %arg3[%mul3A_163, %dma_wait3A_172] : memref<10000x6400xf32, #tpu.memory_space<any>> -> memref<40x6400xf32, #tpu.memory_space<any>>
      tpu.wait_dma2 semaphore(%dma_wait3A_167 : memref<!tpu.dma_semaphore, #tpu.memory_space<semaphore_mem>>) src(%dma_wait3A_173 : memref<40x6400xf32, #tpu.memory_space<any>>) dst(%dma_wait3A_171 : memref<40x6400xf32, #tpu.memory_space<vmem>>)
      %mul3A_174 = arith.constant 40 : i32
      %mul3A_175 = arith.muli %add3A_161, %mul3A_174 : i32
      %get3A_176 = arith.index_cast %mul3A_175 : i32 to index
      %get3A_177 = arith.constant 0 : index
      %get3A_178 = vector.load %arg0[%get3A_176, %get3A_177] : memref<10000x1xi32, #tpu.memory_space<vmem>>, vector<40x1xi32>
      %get3A_179 = arith.constant 1 : index
      %get3A_180 = arith.constant 0 : index
      %get3A_181 = arith.constant 0 : index
      %get3A_182 = vector.load %arg5[%get3A_179, %get3A_180, %get3A_181] : memref<10x40x6400xf32, #tpu.memory_space<vmem>>, vector<1x40x6400xf32>
      %get3A_183 = vector.shape_cast %get3A_182 : vector<1x40x6400xf32> to vector<40x6400xf32>
      %lt3A_184 = vector.broadcast %get3A_1 : vector<1x6400xi32> to vector<40x6400xi32>
      %lt3A_185 = vector.broadcast %get3A_178 : vector<40x1xi32> to vector<40x6400xi32>
      %lt3A_186 = arith.cmpi slt, %lt3A_184, %lt3A_185 : vector<40x6400xi32>
      %jit3A_187 = arith.constant 0.000000e+00 : f32
      %broadcast_in_dim3A_188 = vector.broadcast %jit3A_187 : f32 to vector<40x6400xf32>
      %select_n3A_189 = arith.select %lt3A_186, %get3A_183, %broadcast_in_dim3A_188 : vector<40x6400xi1>, vector<40x6400xf32>
      %dot_general3A_190 = arith.constant dense<0.000000e+00> : vector<40x64xf32>
      %dot_general3A_191 = tpu.matmul %select_n3A_189, %get3A_4, %dot_general3A_190 {dimension_numbers = #tpu.dot_dimension_numbers<[1], [0], [0], [1], [0, 0, 1, 1], [], []>, transpose_lhs_hint = false} : vector<40x6400xf32>, vector<6400x64xf32>, vector<40x64xf32> -> vector<40x64xf32>
      %max3A_192 = arith.constant 1 : i32
      %max3A_193 = vector.broadcast %max3A_192 : i32 to vector<40x1xi32>
      %max3A_194 = arith.maxsi %get3A_178, %max3A_193 : vector<40x1xi32>
      %convert_element_type3A_195 = arith.sitofp %max3A_194 : vector<40x1xi32> to vector<40x1xf32>
      %div3A_196 = vector.broadcast %convert_element_type3A_195 : vector<40x1xf32> to vector<40x64xf32>
      %div3A_197 = arith.divf %dot_general3A_191, %div3A_196 : vector<40x64xf32>
      %mul3A_198 = arith.constant 40 : i32
      %mul3A_199 = arith.muli %add3A_161, %mul3A_198 : i32
      %swap3A_200 = arith.index_cast %mul3A_199 : i32 to index
      %swap3A_201 = arith.constant 0 : index
      %swap3A_202 = vector.load %arg4[%swap3A_200, %swap3A_201] : memref<10000x64xf32, #tpu.memory_space<vmem>>, vector<40x64xf32>
      tpu.vector_store %arg4[%swap3A_200, %swap3A_201], %div3A_197 {strides = array<i32>} : memref<10000x64xf32, #tpu.memory_space<vmem>>, vector<40x64xf32>,
      %add3A_203 = arith.constant 10 : i32
      %add3A_204 = arith.addi %add3A_161, %add3A_203 : i32
      %lt3A_205 = arith.constant 250 : i32
      %lt3A_206 = arith.cmpi slt, %add3A_204, %lt3A_205 : i32
      %convert_element_type3A_207 = arith.extui %lt3A_206 : i1 to i32
      %cond3A_208 = arith.constant 0 : i32
      %cond3A_209 = arith.cmpi ne, %convert_element_type3A_207, %cond3A_208 : i32
      scf.if %cond3A_209 {
        %mul3A_626 = arith.constant 40 : i32
        %mul3A_627 = arith.muli %add3A_204, %mul3A_626 : i32
        %dma_start3A_628 = arith.constant 1 : i32
        %dma_start3A_629 = arith.constant 1 : i32
        %dma_start3A_630 = tpu.memref_slice %arg6[%dma_start3A_629] : memref<10x!tpu.dma_semaphore, #tpu.memory_space<semaphore_mem>> -> memref<1x!tpu.dma_semaphore, #tpu.memory_space<semaphore_mem>>
        %dma_start3A_631 = tpu.memref_squeeze %dma_start3A_630 : memref<1x!tpu.dma_semaphore, #tpu.memory_space<semaphore_mem>> -> memref<!tpu.dma_semaphore, #tpu.memory_space<semaphore_mem>>
        %dma_start3A_632 = arith.constant 0 : i32
        %dma_start3A_633 = arith.constant 0 : i32
        %dma_start3A_634 = tpu.memref_slice %arg5[%dma_start3A_628, %dma_start3A_632, %dma_start3A_633] : memref<10x40x6400xf32, #tpu.memory_space<vmem>> -> memref<1x40x6400xf32, #tpu.memory_space<vmem>>
        %dma_start3A_635 = tpu.memref_squeeze %dma_start3A_634 : memref<1x40x6400xf32, #tpu.memory_space<vmem>> -> memref<40x6400xf32, #tpu.memory_space<vmem>>
        %dma_start3A_636 = arith.constant 0 : i32
        %dma_start3A_637 = tpu.memref_slice %arg3[%mul3A_627, %dma_start3A_636] : memref<10000x6400xf32, #tpu.memory_space<any>> -> memref<40x6400xf32, #tpu.memory_space<any>>
        tpu.enqueue_dma source(%dma_start3A_637 : memref<40x6400xf32, #tpu.memory_space<any>>) target(%dma_start3A_635 : memref<40x6400xf32, #tpu.memory_space<vmem>>) target_semaphore(%dma_start3A_631 : memref<!tpu.dma_semaphore, #tpu.memory_space<semaphore_mem>>)
      } else {
      }
      %mul3A_210 = arith.constant 10 : i32
      %mul3A_211 = arith.muli %scan3A_118, %mul3A_210 : i32
      %add3A_212 = arith.constant 2 : i32
      %add3A_213 = arith.addi %mul3A_211, %add3A_212 : i32
      %mul3A_214 = arith.constant 40 : i32
      %mul3A_215 = arith.muli %add3A_213, %mul3A_214 : i32
      %dma_wait3A_216 = arith.constant 2 : i32
      %dma_wait3A_217 = arith.constant 2 : i32
      %dma_wait3A_218 = tpu.memref_slice %arg6[%dma_wait3A_217] : memref<10x!tpu.dma_semaphore, #tpu.memory_space<semaphore_mem>> -> memref<1x!tpu.dma_semaphore, #tpu.memory_space<semaphore_mem>>
      %dma_wait3A_219 = tpu.memref_squeeze %dma_wait3A_218 : memref<1x!tpu.dma_semaphore, #tpu.memory_space<semaphore_mem>> -> memref<!tpu.dma_semaphore, #tpu.memory_space<semaphore_mem>>
      %dma_wait3A_220 = arith.constant 0 : i32
      %dma_wait3A_221 = arith.constant 0 : i32
      %dma_wait3A_222 = tpu.memref_slice %arg5[%dma_wait3A_216, %dma_wait3A_220, %dma_wait3A_221] : memref<10x40x6400xf32, #tpu.memory_space<vmem>> -> memref<1x40x6400xf32, #tpu.memory_space<vmem>>
      %dma_wait3A_223 = tpu.memref_squeeze %dma_wait3A_222 : memref<1x40x6400xf32, #tpu.memory_space<vmem>> -> memref<40x6400xf32, #tpu.memory_space<vmem>>
      %dma_wait3A_224 = arith.constant 0 : i32
      %dma_wait3A_225 = tpu.memref_slice %arg3[%mul3A_215, %dma_wait3A_224] : memref<10000x6400xf32, #tpu.memory_space<any>> -> memref<40x6400xf32, #tpu.memory_space<any>>
      tpu.wait_dma2 semaphore(%dma_wait3A_219 : memref<!tpu.dma_semaphore, #tpu.memory_space<semaphore_mem>>) src(%dma_wait3A_225 : memref<40x6400xf32, #tpu.memory_space<any>>) dst(%dma_wait3A_223 : memref<40x6400xf32, #tpu.memory_space<vmem>>)
      %mul3A_226 = arith.constant 40 : i32
      %mul3A_227 = arith.muli %add3A_213, %mul3A_226 : i32
      %get3A_228 = arith.index_cast %mul3A_227 : i32 to index
      %get3A_229 = arith.constant 0 : index
      %get3A_230 = vector.load %arg0[%get3A_228, %get3A_229] : memref<10000x1xi32, #tpu.memory_space<vmem>>, vector<40x1xi32>
      %get3A_231 = arith.constant 2 : index
      %get3A_232 = arith.constant 0 : index
      %get3A_233 = arith.constant 0 : index
      %get3A_234 = vector.load %arg5[%get3A_231, %get3A_232, %get3A_233] : memref<10x40x6400xf32, #tpu.memory_space<vmem>>, vector<1x40x6400xf32>
      %get3A_235 = vector.shape_cast %get3A_234 : vector<1x40x6400xf32> to vector<40x6400xf32>
      %lt3A_236 = vector.broadcast %get3A_1 : vector<1x6400xi32> to vector<40x6400xi32>
      %lt3A_237 = vector.broadcast %get3A_230 : vector<40x1xi32> to vector<40x6400xi32>
      %lt3A_238 = arith.cmpi slt, %lt3A_236, %lt3A_237 : vector<40x6400xi32>
      %jit3A_239 = arith.constant 0.000000e+00 : f32
      %broadcast_in_dim3A_240 = vector.broadcast %jit3A_239 : f32 to vector<40x6400xf32>
      %select_n3A_241 = arith.select %lt3A_238, %get3A_235, %broadcast_in_dim3A_240 : vector<40x6400xi1>, vector<40x6400xf32>
      %dot_general3A_242 = arith.constant dense<0.000000e+00> : vector<40x64xf32>
      %dot_general3A_243 = tpu.matmul %select_n3A_241, %get3A_4, %dot_general3A_242 {dimension_numbers = #tpu.dot_dimension_numbers<[1], [0], [0], [1], [0, 0, 1, 1], [], []>, transpose_lhs_hint = false} : vector<40x6400xf32>, vector<6400x64xf32>, vector<40x64xf32> -> vector<40x64xf32>
      %max3A_244 = arith.constant 1 : i32
      %max3A_245 = vector.broadcast %max3A_244 : i32 to vector<40x1xi32>
      %max3A_246 = arith.maxsi %get3A_230, %max3A_245 : vector<40x1xi32>
      %convert_element_type3A_247 = arith.sitofp %max3A_246 : vector<40x1xi32> to vector<40x1xf32>
      %div3A_248 = vector.broadcast %convert_element_type3A_247 : vector<40x1xf32> to vector<40x64xf32>
      %div3A_249 = arith.divf %dot_general3A_243, %div3A_248 : vector<40x64xf32>
      %mul3A_250 = arith.constant 40 : i32
      %mul3A_251 = arith.muli %add3A_213, %mul3A_250 : i32
      %swap3A_252 = arith.index_cast %mul3A_251 : i32 to index
      %swap3A_253 = arith.constant 0 : index
      %swap3A_254 = vector.load %arg4[%swap3A_252, %swap3A_253] : memref<10000x64xf32, #tpu.memory_space<vmem>>, vector<40x64xf32>
      tpu.vector_store %arg4[%swap3A_252, %swap3A_253], %div3A_249 {strides = array<i32>} : memref<10000x64xf32, #tpu.memory_space<vmem>>, vector<40x64xf32>,
      %add3A_255 = arith.constant 10 : i32
      %add3A_256 = arith.addi %add3A_213, %add3A_255 : i32
      %lt3A_257 = arith.constant 250 : i32
      %lt3A_258 = arith.cmpi slt, %add3A_256, %lt3A_257 : i32
      %convert_element_type3A_259 = arith.extui %lt3A_258 : i1 to i32
      %cond3A_260 = arith.constant 0 : i32
      %cond3A_261 = arith.cmpi ne, %convert_element_type3A_259, %cond3A_260 : i32
      scf.if %cond3A_261 {
        %mul3A_626 = arith.constant 40 : i32
        %mul3A_627 = arith.muli %add3A_256, %mul3A_626 : i32
        %dma_start3A_628 = arith.constant 2 : i32
        %dma_start3A_629 = arith.constant 2 : i32
        %dma_start3A_630 = tpu.memref_slice %arg6[%dma_start3A_629] : memref<10x!tpu.dma_semaphore, #tpu.memory_space<semaphore_mem>> -> memref<1x!tpu.dma_semaphore, #tpu.memory_space<semaphore_mem>>
        %dma_start3A_631 = tpu.memref_squeeze %dma_start3A_630 : memref<1x!tpu.dma_semaphore, #tpu.memory_space<semaphore_mem>> -> memref<!tpu.dma_semaphore, #tpu.memory_space<semaphore_mem>>
        %dma_start3A_632 = arith.constant 0 : i32
        %dma_start3A_633 = arith.constant 0 : i32
        %dma_start3A_634 = tpu.memref_slice %arg5[%dma_start3A_628, %dma_start3A_632, %dma_start3A_633] : memref<10x40x6400xf32, #tpu.memory_space<vmem>> -> memref<1x40x6400xf32, #tpu.memory_space<vmem>>
        %dma_start3A_635 = tpu.memref_squeeze %dma_start3A_634 : memref<1x40x6400xf32, #tpu.memory_space<vmem>> -> memref<40x6400xf32, #tpu.memory_space<vmem>>
        %dma_start3A_636 = arith.constant 0 : i32
        %dma_start3A_637 = tpu.memref_slice %arg3[%mul3A_627, %dma_start3A_636] : memref<10000x6400xf32, #tpu.memory_space<any>> -> memref<40x6400xf32, #tpu.memory_space<any>>
        tpu.enqueue_dma source(%dma_start3A_637 : memref<40x6400xf32, #tpu.memory_space<any>>) target(%dma_start3A_635 : memref<40x6400xf32, #tpu.memory_space<vmem>>) target_semaphore(%dma_start3A_631 : memref<!tpu.dma_semaphore, #tpu.memory_space<semaphore_mem>>)
      } else {
      }
      %mul3A_262 = arith.constant 10 : i32
      %mul3A_263 = arith.muli %scan3A_118, %mul3A_262 : i32
      %add3A_264 = arith.constant 3 : i32
      %add3A_265 = arith.addi %mul3A_263, %add3A_264 : i32
      %mul3A_266 = arith.constant 40 : i32
      %mul3A_267 = arith.muli %add3A_265, %mul3A_266 : i32
      %dma_wait3A_268 = arith.constant 3 : i32
      %dma_wait3A_269 = arith.constant 3 : i32
      %dma_wait3A_270 = tpu.memref_slice %arg6[%dma_wait3A_269] : memref<10x!tpu.dma_semaphore, #tpu.memory_space<semaphore_mem>> -> memref<1x!tpu.dma_semaphore, #tpu.memory_space<semaphore_mem>>
      %dma_wait3A_271 = tpu.memref_squeeze %dma_wait3A_270 : memref<1x!tpu.dma_semaphore, #tpu.memory_space<semaphore_mem>> -> memref<!tpu.dma_semaphore, #tpu.memory_space<semaphore_mem>>
      %dma_wait3A_272 = arith.constant 0 : i32
      %dma_wait3A_273 = arith.constant 0 : i32
      %dma_wait3A_274 = tpu.memref_slice %arg5[%dma_wait3A_268, %dma_wait3A_272, %dma_wait3A_273] : memref<10x40x6400xf32, #tpu.memory_space<vmem>> -> memref<1x40x6400xf32, #tpu.memory_space<vmem>>
      %dma_wait3A_275 = tpu.memref_squeeze %dma_wait3A_274 : memref<1x40x6400xf32, #tpu.memory_space<vmem>> -> memref<40x6400xf32, #tpu.memory_space<vmem>>
      %dma_wait3A_276 = arith.constant 0 : i32
      %dma_wait3A_277 = tpu.memref_slice %arg3[%mul3A_267, %dma_wait3A_276] : memref<10000x6400xf32, #tpu.memory_space<any>> -> memref<40x6400xf32, #tpu.memory_space<any>>
      tpu.wait_dma2 semaphore(%dma_wait3A_271 : memref<!tpu.dma_semaphore, #tpu.memory_space<semaphore_mem>>) src(%dma_wait3A_277 : memref<40x6400xf32, #tpu.memory_space<any>>) dst(%dma_wait3A_275 : memref<40x6400xf32, #tpu.memory_space<vmem>>)
      %mul3A_278 = arith.constant 40 : i32
      %mul3A_279 = arith.muli %add3A_265, %mul3A_278 : i32
      %get3A_280 = arith.index_cast %mul3A_279 : i32 to index
      %get3A_281 = arith.constant 0 : index
      %get3A_282 = vector.load %arg0[%get3A_280, %get3A_281] : memref<10000x1xi32, #tpu.memory_space<vmem>>, vector<40x1xi32>
      %get3A_283 = arith.constant 3 : index
      %get3A_284 = arith.constant 0 : index
      %get3A_285 = arith.constant 0 : index
      %get3A_286 = vector.load %arg5[%get3A_283, %get3A_284, %get3A_285] : memref<10x40x6400xf32, #tpu.memory_space<vmem>>, vector<1x40x6400xf32>
      %get3A_287 = vector.shape_cast %get3A_286 : vector<1x40x6400xf32> to vector<40x6400xf32>
      %lt3A_288 = vector.broadcast %get3A_1 : vector<1x6400xi32> to vector<40x6400xi32>
      %lt3A_289 = vector.broadcast %get3A_282 : vector<40x1xi32> to vector<40x6400xi32>
      %lt3A_290 = arith.cmpi slt, %lt3A_288, %lt3A_289 : vector<40x6400xi32>
      %jit3A_291 = arith.constant 0.000000e+00 : f32
      %broadcast_in_dim3A_292 = vector.broadcast %jit3A_291 : f32 to vector<40x6400xf32>
      %select_n3A_293 = arith.select %lt3A_290, %get3A_287, %broadcast_in_dim3A_292 : vector<40x6400xi1>, vector<40x6400xf32>
      %dot_general3A_294 = arith.constant dense<0.000000e+00> : vector<40x64xf32>
      %dot_general3A_295 = tpu.matmul %select_n3A_293, %get3A_4, %dot_general3A_294 {dimension_numbers = #tpu.dot_dimension_numbers<[1], [0], [0], [1], [0, 0, 1, 1], [], []>, transpose_lhs_hint = false} : vector<40x6400xf32>, vector<6400x64xf32>, vector<40x64xf32> -> vector<40x64xf32>
      %max3A_296 = arith.constant 1 : i32
      %max3A_297 = vector.broadcast %max3A_296 : i32 to vector<40x1xi32>
      %max3A_298 = arith.maxsi %get3A_282, %max3A_297 : vector<40x1xi32>
      %convert_element_type3A_299 = arith.sitofp %max3A_298 : vector<40x1xi32> to vector<40x1xf32>
      %div3A_300 = vector.broadcast %convert_element_type3A_299 : vector<40x1xf32> to vector<40x64xf32>
      %div3A_301 = arith.divf %dot_general3A_295, %div3A_300 : vector<40x64xf32>
      %mul3A_302 = arith.constant 40 : i32
      %mul3A_303 = arith.muli %add3A_265, %mul3A_302 : i32
      %swap3A_304 = arith.index_cast %mul3A_303 : i32 to index
      %swap3A_305 = arith.constant 0 : index
      %swap3A_306 = vector.load %arg4[%swap3A_304, %swap3A_305] : memref<10000x64xf32, #tpu.memory_space<vmem>>, vector<40x64xf32>
      tpu.vector_store %arg4[%swap3A_304, %swap3A_305], %div3A_301 {strides = array<i32>} : memref<10000x64xf32, #tpu.memory_space<vmem>>, vector<40x64xf32>,
      %add3A_307 = arith.constant 10 : i32
      %add3A_308 = arith.addi %add3A_265, %add3A_307 : i32
      %lt3A_309 = arith.constant 250 : i32
      %lt3A_310 = arith.cmpi slt, %add3A_308, %lt3A_309 : i32
      %convert_element_type3A_311 = arith.extui %lt3A_310 : i1 to i32
      %cond3A_312 = arith.constant 0 : i32
      %cond3A_313 = arith.cmpi ne, %convert_element_type3A_311, %cond3A_312 : i32
      scf.if %cond3A_313 {
        %mul3A_626 = arith.constant 40 : i32
        %mul3A_627 = arith.muli %add3A_308, %mul3A_626 : i32
        %dma_start3A_628 = arith.constant 3 : i32
        %dma_start3A_629 = arith.constant 3 : i32
        %dma_start3A_630 = tpu.memref_slice %arg6[%dma_start3A_629] : memref<10x!tpu.dma_semaphore, #tpu.memory_space<semaphore_mem>> -> memref<1x!tpu.dma_semaphore, #tpu.memory_space<semaphore_mem>>
        %dma_start3A_631 = tpu.memref_squeeze %dma_start3A_630 : memref<1x!tpu.dma_semaphore, #tpu.memory_space<semaphore_mem>> -> memref<!tpu.dma_semaphore, #tpu.memory_space<semaphore_mem>>
        %dma_start3A_632 = arith.constant 0 : i32
        %dma_start3A_633 = arith.constant 0 : i32
        %dma_start3A_634 = tpu.memref_slice %arg5[%dma_start3A_628, %dma_start3A_632, %dma_start3A_633] : memref<10x40x6400xf32, #tpu.memory_space<vmem>> -> memref<1x40x6400xf32, #tpu.memory_space<vmem>>
        %dma_start3A_635 = tpu.memref_squeeze %dma_start3A_634 : memref<1x40x6400xf32, #tpu.memory_space<vmem>> -> memref<40x6400xf32, #tpu.memory_space<vmem>>
        %dma_start3A_636 = arith.constant 0 : i32
        %dma_start3A_637 = tpu.memref_slice %arg3[%mul3A_627, %dma_start3A_636] : memref<10000x6400xf32, #tpu.memory_space<any>> -> memref<40x6400xf32, #tpu.memory_space<any>>
        tpu.enqueue_dma source(%dma_start3A_637 : memref<40x6400xf32, #tpu.memory_space<any>>) target(%dma_start3A_635 : memref<40x6400xf32, #tpu.memory_space<vmem>>) target_semaphore(%dma_start3A_631 : memref<!tpu.dma_semaphore, #tpu.memory_space<semaphore_mem>>)
      } else {
      }
      %mul3A_314 = arith.constant 10 : i32
      %mul3A_315 = arith.muli %scan3A_118, %mul3A_314 : i32
      %add3A_316 = arith.constant 4 : i32
      %add3A_317 = arith.addi %mul3A_315, %add3A_316 : i32
      %mul3A_318 = arith.constant 40 : i32
      %mul3A_319 = arith.muli %add3A_317, %mul3A_318 : i32
      %dma_wait3A_320 = arith.constant 4 : i32
      %dma_wait3A_321 = arith.constant 4 : i32
      %dma_wait3A_322 = tpu.memref_slice %arg6[%dma_wait3A_321] : memref<10x!tpu.dma_semaphore, #tpu.memory_space<semaphore_mem>> -> memref<1x!tpu.dma_semaphore, #tpu.memory_space<semaphore_mem>>
      %dma_wait3A_323 = tpu.memref_squeeze %dma_wait3A_322 : memref<1x!tpu.dma_semaphore, #tpu.memory_space<semaphore_mem>> -> memref<!tpu.dma_semaphore, #tpu.memory_space<semaphore_mem>>
      %dma_wait3A_324 = arith.constant 0 : i32
      %dma_wait3A_325 = arith.constant 0 : i32
      %dma_wait3A_326 = tpu.memref_slice %arg5[%dma_wait3A_320, %dma_wait3A_324, %dma_wait3A_325] : memref<10x40x6400xf32, #tpu.memory_space<vmem>> -> memref<1x40x6400xf32, #tpu.memory_space<vmem>>
      %dma_wait3A_327 = tpu.memref_squeeze %dma_wait3A_326 : memref<1x40x6400xf32, #tpu.memory_space<vmem>> -> memref<40x6400xf32, #tpu.memory_space<vmem>>
      %dma_wait3A_328 = arith.constant 0 : i32
      %dma_wait3A_329 = tpu.memref_slice %arg3[%mul3A_319, %dma_wait3A_328] : memref<10000x6400xf32, #tpu.memory_space<any>> -> memref<40x6400xf32, #tpu.memory_space<any>>
      tpu.wait_dma2 semaphore(%dma_wait3A_323 : memref<!tpu.dma_semaphore, #tpu.memory_space<semaphore_mem>>) src(%dma_wait3A_329 : memref<40x6400xf32, #tpu.memory_space<any>>) dst(%dma_wait3A_327 : memref<40x6400xf32, #tpu.memory_space<vmem>>)
      %mul3A_330 = arith.constant 40 : i32
      %mul3A_331 = arith.muli %add3A_317, %mul3A_330 : i32
      %get3A_332 = arith.index_cast %mul3A_331 : i32 to index
      %get3A_333 = arith.constant 0 : index
      %get3A_334 = vector.load %arg0[%get3A_332, %get3A_333] : memref<10000x1xi32, #tpu.memory_space<vmem>>, vector<40x1xi32>
      %get3A_335 = arith.constant 4 : index
      %get3A_336 = arith.constant 0 : index
      %get3A_337 = arith.constant 0 : index
      %get3A_338 = vector.load %arg5[%get3A_335, %get3A_336, %get3A_337] : memref<10x40x6400xf32, #tpu.memory_space<vmem>>, vector<1x40x6400xf32>
      %get3A_339 = vector.shape_cast %get3A_338 : vector<1x40x6400xf32> to vector<40x6400xf32>
      %lt3A_340 = vector.broadcast %get3A_1 : vector<1x6400xi32> to vector<40x6400xi32>
      %lt3A_341 = vector.broadcast %get3A_334 : vector<40x1xi32> to vector<40x6400xi32>
      %lt3A_342 = arith.cmpi slt, %lt3A_340, %lt3A_341 : vector<40x6400xi32>
      %jit3A_343 = arith.constant 0.000000e+00 : f32
      %broadcast_in_dim3A_344 = vector.broadcast %jit3A_343 : f32 to vector<40x6400xf32>
      %select_n3A_345 = arith.select %lt3A_342, %get3A_339, %broadcast_in_dim3A_344 : vector<40x6400xi1>, vector<40x6400xf32>
      %dot_general3A_346 = arith.constant dense<0.000000e+00> : vector<40x64xf32>
      %dot_general3A_347 = tpu.matmul %select_n3A_345, %get3A_4, %dot_general3A_346 {dimension_numbers = #tpu.dot_dimension_numbers<[1], [0], [0], [1], [0, 0, 1, 1], [], []>, transpose_lhs_hint = false} : vector<40x6400xf32>, vector<6400x64xf32>, vector<40x64xf32> -> vector<40x64xf32>
      %max3A_348 = arith.constant 1 : i32
      %max3A_349 = vector.broadcast %max3A_348 : i32 to vector<40x1xi32>
      %max3A_350 = arith.maxsi %get3A_334, %max3A_349 : vector<40x1xi32>
      %convert_element_type3A_351 = arith.sitofp %max3A_350 : vector<40x1xi32> to vector<40x1xf32>
      %div3A_352 = vector.broadcast %convert_element_type3A_351 : vector<40x1xf32> to vector<40x64xf32>
      %div3A_353 = arith.divf %dot_general3A_347, %div3A_352 : vector<40x64xf32>
      %mul3A_354 = arith.constant 40 : i32
      %mul3A_355 = arith.muli %add3A_317, %mul3A_354 : i32
      %swap3A_356 = arith.index_cast %mul3A_355 : i32 to index
      %swap3A_357 = arith.constant 0 : index
      %swap3A_358 = vector.load %arg4[%swap3A_356, %swap3A_357] : memref<10000x64xf32, #tpu.memory_space<vmem>>, vector<40x64xf32>
      tpu.vector_store %arg4[%swap3A_356, %swap3A_357], %div3A_353 {strides = array<i32>} : memref<10000x64xf32, #tpu.memory_space<vmem>>, vector<40x64xf32>,
      %add3A_359 = arith.constant 10 : i32
      %add3A_360 = arith.addi %add3A_317, %add3A_359 : i32
      %lt3A_361 = arith.constant 250 : i32
      %lt3A_362 = arith.cmpi slt, %add3A_360, %lt3A_361 : i32
      %convert_element_type3A_363 = arith.extui %lt3A_362 : i1 to i32
      %cond3A_364 = arith.constant 0 : i32
      %cond3A_365 = arith.cmpi ne, %convert_element_type3A_363, %cond3A_364 : i32
      scf.if %cond3A_365 {
        %mul3A_626 = arith.constant 40 : i32
        %mul3A_627 = arith.muli %add3A_360, %mul3A_626 : i32
        %dma_start3A_628 = arith.constant 4 : i32
        %dma_start3A_629 = arith.constant 4 : i32
        %dma_start3A_630 = tpu.memref_slice %arg6[%dma_start3A_629] : memref<10x!tpu.dma_semaphore, #tpu.memory_space<semaphore_mem>> -> memref<1x!tpu.dma_semaphore, #tpu.memory_space<semaphore_mem>>
        %dma_start3A_631 = tpu.memref_squeeze %dma_start3A_630 : memref<1x!tpu.dma_semaphore, #tpu.memory_space<semaphore_mem>> -> memref<!tpu.dma_semaphore, #tpu.memory_space<semaphore_mem>>
        %dma_start3A_632 = arith.constant 0 : i32
        %dma_start3A_633 = arith.constant 0 : i32
        %dma_start3A_634 = tpu.memref_slice %arg5[%dma_start3A_628, %dma_start3A_632, %dma_start3A_633] : memref<10x40x6400xf32, #tpu.memory_space<vmem>> -> memref<1x40x6400xf32, #tpu.memory_space<vmem>>
        %dma_start3A_635 = tpu.memref_squeeze %dma_start3A_634 : memref<1x40x6400xf32, #tpu.memory_space<vmem>> -> memref<40x6400xf32, #tpu.memory_space<vmem>>
        %dma_start3A_636 = arith.constant 0 : i32
        %dma_start3A_637 = tpu.memref_slice %arg3[%mul3A_627, %dma_start3A_636] : memref<10000x6400xf32, #tpu.memory_space<any>> -> memref<40x6400xf32, #tpu.memory_space<any>>
        tpu.enqueue_dma source(%dma_start3A_637 : memref<40x6400xf32, #tpu.memory_space<any>>) target(%dma_start3A_635 : memref<40x6400xf32, #tpu.memory_space<vmem>>) target_semaphore(%dma_start3A_631 : memref<!tpu.dma_semaphore, #tpu.memory_space<semaphore_mem>>)
      } else {
      }
      %mul3A_366 = arith.constant 10 : i32
      %mul3A_367 = arith.muli %scan3A_118, %mul3A_366 : i32
      %add3A_368 = arith.constant 5 : i32
      %add3A_369 = arith.addi %mul3A_367, %add3A_368 : i32
      %mul3A_370 = arith.constant 40 : i32
      %mul3A_371 = arith.muli %add3A_369, %mul3A_370 : i32
      %dma_wait3A_372 = arith.constant 5 : i32
      %dma_wait3A_373 = arith.constant 5 : i32
      %dma_wait3A_374 = tpu.memref_slice %arg6[%dma_wait3A_373] : memref<10x!tpu.dma_semaphore, #tpu.memory_space<semaphore_mem>> -> memref<1x!tpu.dma_semaphore, #tpu.memory_space<semaphore_mem>>
      %dma_wait3A_375 = tpu.memref_squeeze %dma_wait3A_374 : memref<1x!tpu.dma_semaphore, #tpu.memory_space<semaphore_mem>> -> memref<!tpu.dma_semaphore, #tpu.memory_space<semaphore_mem>>
      %dma_wait3A_376 = arith.constant 0 : i32
      %dma_wait3A_377 = arith.constant 0 : i32
      %dma_wait3A_378 = tpu.memref_slice %arg5[%dma_wait3A_372, %dma_wait3A_376, %dma_wait3A_377] : memref<10x40x6400xf32, #tpu.memory_space<vmem>> -> memref<1x40x6400xf32, #tpu.memory_space<vmem>>
      %dma_wait3A_379 = tpu.memref_squeeze %dma_wait3A_378 : memref<1x40x6400xf32, #tpu.memory_space<vmem>> -> memref<40x6400xf32, #tpu.memory_space<vmem>>
      %dma_wait3A_380 = arith.constant 0 : i32
      %dma_wait3A_381 = tpu.memref_slice %arg3[%mul3A_371, %dma_wait3A_380] : memref<10000x6400xf32, #tpu.memory_space<any>> -> memref<40x6400xf32, #tpu.memory_space<any>>
      tpu.wait_dma2 semaphore(%dma_wait3A_375 : memref<!tpu.dma_semaphore, #tpu.memory_space<semaphore_mem>>) src(%dma_wait3A_381 : memref<40x6400xf32, #tpu.memory_space<any>>) dst(%dma_wait3A_379 : memref<40x6400xf32, #tpu.memory_space<vmem>>)
      %mul3A_382 = arith.constant 40 : i32
      %mul3A_383 = arith.muli %add3A_369, %mul3A_382 : i32
      %get3A_384 = arith.index_cast %mul3A_383 : i32 to index
      %get3A_385 = arith.constant 0 : index
      %get3A_386 = vector.load %arg0[%get3A_384, %get3A_385] : memref<10000x1xi32, #tpu.memory_space<vmem>>, vector<40x1xi32>
      %get3A_387 = arith.constant 5 : index
      %get3A_388 = arith.constant 0 : index
      %get3A_389 = arith.constant 0 : index
      %get3A_390 = vector.load %arg5[%get3A_387, %get3A_388, %get3A_389] : memref<10x40x6400xf32, #tpu.memory_space<vmem>>, vector<1x40x6400xf32>
      %get3A_391 = vector.shape_cast %get3A_390 : vector<1x40x6400xf32> to vector<40x6400xf32>
      %lt3A_392 = vector.broadcast %get3A_1 : vector<1x6400xi32> to vector<40x6400xi32>
      %lt3A_393 = vector.broadcast %get3A_386 : vector<40x1xi32> to vector<40x6400xi32>
      %lt3A_394 = arith.cmpi slt, %lt3A_392, %lt3A_393 : vector<40x6400xi32>
      %jit3A_395 = arith.constant 0.000000e+00 : f32
      %broadcast_in_dim3A_396 = vector.broadcast %jit3A_395 : f32 to vector<40x6400xf32>
      %select_n3A_397 = arith.select %lt3A_394, %get3A_391, %broadcast_in_dim3A_396 : vector<40x6400xi1>, vector<40x6400xf32>
      %dot_general3A_398 = arith.constant dense<0.000000e+00> : vector<40x64xf32>
      %dot_general3A_399 = tpu.matmul %select_n3A_397, %get3A_4, %dot_general3A_398 {dimension_numbers = #tpu.dot_dimension_numbers<[1], [0], [0], [1], [0, 0, 1, 1], [], []>, transpose_lhs_hint = false} : vector<40x6400xf32>, vector<6400x64xf32>, vector<40x64xf32> -> vector<40x64xf32>
      %max3A_400 = arith.constant 1 : i32
      %max3A_401 = vector.broadcast %max3A_400 : i32 to vector<40x1xi32>
      %max3A_402 = arith.maxsi %get3A_386, %max3A_401 : vector<40x1xi32>
      %convert_element_type3A_403 = arith.sitofp %max3A_402 : vector<40x1xi32> to vector<40x1xf32>
      %div3A_404 = vector.broadcast %convert_element_type3A_403 : vector<40x1xf32> to vector<40x64xf32>
      %div3A_405 = arith.divf %dot_general3A_399, %div3A_404 : vector<40x64xf32>
      %mul3A_406 = arith.constant 40 : i32
      %mul3A_407 = arith.muli %add3A_369, %mul3A_406 : i32
      %swap3A_408 = arith.index_cast %mul3A_407 : i32 to index
      %swap3A_409 = arith.constant 0 : index
      %swap3A_410 = vector.load %arg4[%swap3A_408, %swap3A_409] : memref<10000x64xf32, #tpu.memory_space<vmem>>, vector<40x64xf32>
      tpu.vector_store %arg4[%swap3A_408, %swap3A_409], %div3A_405 {strides = array<i32>} : memref<10000x64xf32, #tpu.memory_space<vmem>>, vector<40x64xf32>,
      %add3A_411 = arith.constant 10 : i32
      %add3A_412 = arith.addi %add3A_369, %add3A_411 : i32
      %lt3A_413 = arith.constant 250 : i32
      %lt3A_414 = arith.cmpi slt, %add3A_412, %lt3A_413 : i32
      %convert_element_type3A_415 = arith.extui %lt3A_414 : i1 to i32
      %cond3A_416 = arith.constant 0 : i32
      %cond3A_417 = arith.cmpi ne, %convert_element_type3A_415, %cond3A_416 : i32
      scf.if %cond3A_417 {
        %mul3A_626 = arith.constant 40 : i32
        %mul3A_627 = arith.muli %add3A_412, %mul3A_626 : i32
        %dma_start3A_628 = arith.constant 5 : i32
        %dma_start3A_629 = arith.constant 5 : i32
        %dma_start3A_630 = tpu.memref_slice %arg6[%dma_start3A_629] : memref<10x!tpu.dma_semaphore, #tpu.memory_space<semaphore_mem>> -> memref<1x!tpu.dma_semaphore, #tpu.memory_space<semaphore_mem>>
        %dma_start3A_631 = tpu.memref_squeeze %dma_start3A_630 : memref<1x!tpu.dma_semaphore, #tpu.memory_space<semaphore_mem>> -> memref<!tpu.dma_semaphore, #tpu.memory_space<semaphore_mem>>
        %dma_start3A_632 = arith.constant 0 : i32
        %dma_start3A_633 = arith.constant 0 : i32
        %dma_start3A_634 = tpu.memref_slice %arg5[%dma_start3A_628, %dma_start3A_632, %dma_start3A_633] : memref<10x40x6400xf32, #tpu.memory_space<vmem>> -> memref<1x40x6400xf32, #tpu.memory_space<vmem>>
        %dma_start3A_635 = tpu.memref_squeeze %dma_start3A_634 : memref<1x40x6400xf32, #tpu.memory_space<vmem>> -> memref<40x6400xf32, #tpu.memory_space<vmem>>
        %dma_start3A_636 = arith.constant 0 : i32
        %dma_start3A_637 = tpu.memref_slice %arg3[%mul3A_627, %dma_start3A_636] : memref<10000x6400xf32, #tpu.memory_space<any>> -> memref<40x6400xf32, #tpu.memory_space<any>>
        tpu.enqueue_dma source(%dma_start3A_637 : memref<40x6400xf32, #tpu.memory_space<any>>) target(%dma_start3A_635 : memref<40x6400xf32, #tpu.memory_space<vmem>>) target_semaphore(%dma_start3A_631 : memref<!tpu.dma_semaphore, #tpu.memory_space<semaphore_mem>>)
      } else {
      }
      %mul3A_418 = arith.constant 10 : i32
      %mul3A_419 = arith.muli %scan3A_118, %mul3A_418 : i32
      %add3A_420 = arith.constant 6 : i32
      %add3A_421 = arith.addi %mul3A_419, %add3A_420 : i32
      %mul3A_422 = arith.constant 40 : i32
      %mul3A_423 = arith.muli %add3A_421, %mul3A_422 : i32
      %dma_wait3A_424 = arith.constant 6 : i32
      %dma_wait3A_425 = arith.constant 6 : i32
      %dma_wait3A_426 = tpu.memref_slice %arg6[%dma_wait3A_425] : memref<10x!tpu.dma_semaphore, #tpu.memory_space<semaphore_mem>> -> memref<1x!tpu.dma_semaphore, #tpu.memory_space<semaphore_mem>>
      %dma_wait3A_427 = tpu.memref_squeeze %dma_wait3A_426 : memref<1x!tpu.dma_semaphore, #tpu.memory_space<semaphore_mem>> -> memref<!tpu.dma_semaphore, #tpu.memory_space<semaphore_mem>>
      %dma_wait3A_428 = arith.constant 0 : i32
      %dma_wait3A_429 = arith.constant 0 : i32
      %dma_wait3A_430 = tpu.memref_slice %arg5[%dma_wait3A_424, %dma_wait3A_428, %dma_wait3A_429] : memref<10x40x6400xf32, #tpu.memory_space<vmem>> -> memref<1x40x6400xf32, #tpu.memory_space<vmem>>
      %dma_wait3A_431 = tpu.memref_squeeze %dma_wait3A_430 : memref<1x40x6400xf32, #tpu.memory_space<vmem>> -> memref<40x6400xf32, #tpu.memory_space<vmem>>
      %dma_wait3A_432 = arith.constant 0 : i32
      %dma_wait3A_433 = tpu.memref_slice %arg3[%mul3A_423, %dma_wait3A_432] : memref<10000x6400xf32, #tpu.memory_space<any>> -> memref<40x6400xf32, #tpu.memory_space<any>>
      tpu.wait_dma2 semaphore(%dma_wait3A_427 : memref<!tpu.dma_semaphore, #tpu.memory_space<semaphore_mem>>) src(%dma_wait3A_433 : memref<40x6400xf32, #tpu.memory_space<any>>) dst(%dma_wait3A_431 : memref<40x6400xf32, #tpu.memory_space<vmem>>)
      %mul3A_434 = arith.constant 40 : i32
      %mul3A_435 = arith.muli %add3A_421, %mul3A_434 : i32
      %get3A_436 = arith.index_cast %mul3A_435 : i32 to index
      %get3A_437 = arith.constant 0 : index
      %get3A_438 = vector.load %arg0[%get3A_436, %get3A_437] : memref<10000x1xi32, #tpu.memory_space<vmem>>, vector<40x1xi32>
      %get3A_439 = arith.constant 6 : index
      %get3A_440 = arith.constant 0 : index
      %get3A_441 = arith.constant 0 : index
      %get3A_442 = vector.load %arg5[%get3A_439, %get3A_440, %get3A_441] : memref<10x40x6400xf32, #tpu.memory_space<vmem>>, vector<1x40x6400xf32>
      %get3A_443 = vector.shape_cast %get3A_442 : vector<1x40x6400xf32> to vector<40x6400xf32>
      %lt3A_444 = vector.broadcast %get3A_1 : vector<1x6400xi32> to vector<40x6400xi32>
      %lt3A_445 = vector.broadcast %get3A_438 : vector<40x1xi32> to vector<40x6400xi32>
      %lt3A_446 = arith.cmpi slt, %lt3A_444, %lt3A_445 : vector<40x6400xi32>
      %jit3A_447 = arith.constant 0.000000e+00 : f32
      %broadcast_in_dim3A_448 = vector.broadcast %jit3A_447 : f32 to vector<40x6400xf32>
      %select_n3A_449 = arith.select %lt3A_446, %get3A_443, %broadcast_in_dim3A_448 : vector<40x6400xi1>, vector<40x6400xf32>
      %dot_general3A_450 = arith.constant dense<0.000000e+00> : vector<40x64xf32>
      %dot_general3A_451 = tpu.matmul %select_n3A_449, %get3A_4, %dot_general3A_450 {dimension_numbers = #tpu.dot_dimension_numbers<[1], [0], [0], [1], [0, 0, 1, 1], [], []>, transpose_lhs_hint = false} : vector<40x6400xf32>, vector<6400x64xf32>, vector<40x64xf32> -> vector<40x64xf32>
      %max3A_452 = arith.constant 1 : i32
      %max3A_453 = vector.broadcast %max3A_452 : i32 to vector<40x1xi32>
      %max3A_454 = arith.maxsi %get3A_438, %max3A_453 : vector<40x1xi32>
      %convert_element_type3A_455 = arith.sitofp %max3A_454 : vector<40x1xi32> to vector<40x1xf32>
      %div3A_456 = vector.broadcast %convert_element_type3A_455 : vector<40x1xf32> to vector<40x64xf32>
      %div3A_457 = arith.divf %dot_general3A_451, %div3A_456 : vector<40x64xf32>
      %mul3A_458 = arith.constant 40 : i32
      %mul3A_459 = arith.muli %add3A_421, %mul3A_458 : i32
      %swap3A_460 = arith.index_cast %mul3A_459 : i32 to index
      %swap3A_461 = arith.constant 0 : index
      %swap3A_462 = vector.load %arg4[%swap3A_460, %swap3A_461] : memref<10000x64xf32, #tpu.memory_space<vmem>>, vector<40x64xf32>
      tpu.vector_store %arg4[%swap3A_460, %swap3A_461], %div3A_457 {strides = array<i32>} : memref<10000x64xf32, #tpu.memory_space<vmem>>, vector<40x64xf32>,
      %add3A_463 = arith.constant 10 : i32
      %add3A_464 = arith.addi %add3A_421, %add3A_463 : i32
      %lt3A_465 = arith.constant 250 : i32
      %lt3A_466 = arith.cmpi slt, %add3A_464, %lt3A_465 : i32
      %convert_element_type3A_467 = arith.extui %lt3A_466 : i1 to i32
      %cond3A_468 = arith.constant 0 : i32
      %cond3A_469 = arith.cmpi ne, %convert_element_type3A_467, %cond3A_468 : i32
      scf.if %cond3A_469 {
        %mul3A_626 = arith.constant 40 : i32
        %mul3A_627 = arith.muli %add3A_464, %mul3A_626 : i32
        %dma_start3A_628 = arith.constant 6 : i32
        %dma_start3A_629 = arith.constant 6 : i32
        %dma_start3A_630 = tpu.memref_slice %arg6[%dma_start3A_629] : memref<10x!tpu.dma_semaphore, #tpu.memory_space<semaphore_mem>> -> memref<1x!tpu.dma_semaphore, #tpu.memory_space<semaphore_mem>>
        %dma_start3A_631 = tpu.memref_squeeze %dma_start3A_630 : memref<1x!tpu.dma_semaphore, #tpu.memory_space<semaphore_mem>> -> memref<!tpu.dma_semaphore, #tpu.memory_space<semaphore_mem>>
        %dma_start3A_632 = arith.constant 0 : i32
        %dma_start3A_633 = arith.constant 0 : i32
        %dma_start3A_634 = tpu.memref_slice %arg5[%dma_start3A_628, %dma_start3A_632, %dma_start3A_633] : memref<10x40x6400xf32, #tpu.memory_space<vmem>> -> memref<1x40x6400xf32, #tpu.memory_space<vmem>>
        %dma_start3A_635 = tpu.memref_squeeze %dma_start3A_634 : memref<1x40x6400xf32, #tpu.memory_space<vmem>> -> memref<40x6400xf32, #tpu.memory_space<vmem>>
        %dma_start3A_636 = arith.constant 0 : i32
        %dma_start3A_637 = tpu.memref_slice %arg3[%mul3A_627, %dma_start3A_636] : memref<10000x6400xf32, #tpu.memory_space<any>> -> memref<40x6400xf32, #tpu.memory_space<any>>
        tpu.enqueue_dma source(%dma_start3A_637 : memref<40x6400xf32, #tpu.memory_space<any>>) target(%dma_start3A_635 : memref<40x6400xf32, #tpu.memory_space<vmem>>) target_semaphore(%dma_start3A_631 : memref<!tpu.dma_semaphore, #tpu.memory_space<semaphore_mem>>)
      } else {
      }
      %mul3A_470 = arith.constant 10 : i32
      %mul3A_471 = arith.muli %scan3A_118, %mul3A_470 : i32
      %add3A_472 = arith.constant 7 : i32
      %add3A_473 = arith.addi %mul3A_471, %add3A_472 : i32
      %mul3A_474 = arith.constant 40 : i32
      %mul3A_475 = arith.muli %add3A_473, %mul3A_474 : i32
      %dma_wait3A_476 = arith.constant 7 : i32
      %dma_wait3A_477 = arith.constant 7 : i32
      %dma_wait3A_478 = tpu.memref_slice %arg6[%dma_wait3A_477] : memref<10x!tpu.dma_semaphore, #tpu.memory_space<semaphore_mem>> -> memref<1x!tpu.dma_semaphore, #tpu.memory_space<semaphore_mem>>
      %dma_wait3A_479 = tpu.memref_squeeze %dma_wait3A_478 : memref<1x!tpu.dma_semaphore, #tpu.memory_space<semaphore_mem>> -> memref<!tpu.dma_semaphore, #tpu.memory_space<semaphore_mem>>
      %dma_wait3A_480 = arith.constant 0 : i32
      %dma_wait3A_481 = arith.constant 0 : i32
      %dma_wait3A_482 = tpu.memref_slice %arg5[%dma_wait3A_476, %dma_wait3A_480, %dma_wait3A_481] : memref<10x40x6400xf32, #tpu.memory_space<vmem>> -> memref<1x40x6400xf32, #tpu.memory_space<vmem>>
      %dma_wait3A_483 = tpu.memref_squeeze %dma_wait3A_482 : memref<1x40x6400xf32, #tpu.memory_space<vmem>> -> memref<40x6400xf32, #tpu.memory_space<vmem>>
      %dma_wait3A_484 = arith.constant 0 : i32
      %dma_wait3A_485 = tpu.memref_slice %arg3[%mul3A_475, %dma_wait3A_484] : memref<10000x6400xf32, #tpu.memory_space<any>> -> memref<40x6400xf32, #tpu.memory_space<any>>
      tpu.wait_dma2 semaphore(%dma_wait3A_479 : memref<!tpu.dma_semaphore, #tpu.memory_space<semaphore_mem>>) src(%dma_wait3A_485 : memref<40x6400xf32, #tpu.memory_space<any>>) dst(%dma_wait3A_483 : memref<40x6400xf32, #tpu.memory_space<vmem>>)
      %mul3A_486 = arith.constant 40 : i32
      %mul3A_487 = arith.muli %add3A_473, %mul3A_486 : i32
      %get3A_488 = arith.index_cast %mul3A_487 : i32 to index
      %get3A_489 = arith.constant 0 : index
      %get3A_490 = vector.load %arg0[%get3A_488, %get3A_489] : memref<10000x1xi32, #tpu.memory_space<vmem>>, vector<40x1xi32>
      %get3A_491 = arith.constant 7 : index
      %get3A_492 = arith.constant 0 : index
      %get3A_493 = arith.constant 0 : index
      %get3A_494 = vector.load %arg5[%get3A_491, %get3A_492, %get3A_493] : memref<10x40x6400xf32, #tpu.memory_space<vmem>>, vector<1x40x6400xf32>
      %get3A_495 = vector.shape_cast %get3A_494 : vector<1x40x6400xf32> to vector<40x6400xf32>
      %lt3A_496 = vector.broadcast %get3A_1 : vector<1x6400xi32> to vector<40x6400xi32>
      %lt3A_497 = vector.broadcast %get3A_490 : vector<40x1xi32> to vector<40x6400xi32>
      %lt3A_498 = arith.cmpi slt, %lt3A_496, %lt3A_497 : vector<40x6400xi32>
      %jit3A_499 = arith.constant 0.000000e+00 : f32
      %broadcast_in_dim3A_500 = vector.broadcast %jit3A_499 : f32 to vector<40x6400xf32>
      %select_n3A_501 = arith.select %lt3A_498, %get3A_495, %broadcast_in_dim3A_500 : vector<40x6400xi1>, vector<40x6400xf32>
      %dot_general3A_502 = arith.constant dense<0.000000e+00> : vector<40x64xf32>
      %dot_general3A_503 = tpu.matmul %select_n3A_501, %get3A_4, %dot_general3A_502 {dimension_numbers = #tpu.dot_dimension_numbers<[1], [0], [0], [1], [0, 0, 1, 1], [], []>, transpose_lhs_hint = false} : vector<40x6400xf32>, vector<6400x64xf32>, vector<40x64xf32> -> vector<40x64xf32>
      %max3A_504 = arith.constant 1 : i32
      %max3A_505 = vector.broadcast %max3A_504 : i32 to vector<40x1xi32>
      %max3A_506 = arith.maxsi %get3A_490, %max3A_505 : vector<40x1xi32>
      %convert_element_type3A_507 = arith.sitofp %max3A_506 : vector<40x1xi32> to vector<40x1xf32>
      %div3A_508 = vector.broadcast %convert_element_type3A_507 : vector<40x1xf32> to vector<40x64xf32>
      %div3A_509 = arith.divf %dot_general3A_503, %div3A_508 : vector<40x64xf32>
      %mul3A_510 = arith.constant 40 : i32
      %mul3A_511 = arith.muli %add3A_473, %mul3A_510 : i32
      %swap3A_512 = arith.index_cast %mul3A_511 : i32 to index
      %swap3A_513 = arith.constant 0 : index
      %swap3A_514 = vector.load %arg4[%swap3A_512, %swap3A_513] : memref<10000x64xf32, #tpu.memory_space<vmem>>, vector<40x64xf32>
      tpu.vector_store %arg4[%swap3A_512, %swap3A_513], %div3A_509 {strides = array<i32>} : memref<10000x64xf32, #tpu.memory_space<vmem>>, vector<40x64xf32>,
      %add3A_515 = arith.constant 10 : i32
      %add3A_516 = arith.addi %add3A_473, %add3A_515 : i32
      %lt3A_517 = arith.constant 250 : i32
      %lt3A_518 = arith.cmpi slt, %add3A_516, %lt3A_517 : i32
      %convert_element_type3A_519 = arith.extui %lt3A_518 : i1 to i32
      %cond3A_520 = arith.constant 0 : i32
      %cond3A_521 = arith.cmpi ne, %convert_element_type3A_519, %cond3A_520 : i32
      scf.if %cond3A_521 {
        %mul3A_626 = arith.constant 40 : i32
        %mul3A_627 = arith.muli %add3A_516, %mul3A_626 : i32
        %dma_start3A_628 = arith.constant 7 : i32
        %dma_start3A_629 = arith.constant 7 : i32
        %dma_start3A_630 = tpu.memref_slice %arg6[%dma_start3A_629] : memref<10x!tpu.dma_semaphore, #tpu.memory_space<semaphore_mem>> -> memref<1x!tpu.dma_semaphore, #tpu.memory_space<semaphore_mem>>
        %dma_start3A_631 = tpu.memref_squeeze %dma_start3A_630 : memref<1x!tpu.dma_semaphore, #tpu.memory_space<semaphore_mem>> -> memref<!tpu.dma_semaphore, #tpu.memory_space<semaphore_mem>>
        %dma_start3A_632 = arith.constant 0 : i32
        %dma_start3A_633 = arith.constant 0 : i32
        %dma_start3A_634 = tpu.memref_slice %arg5[%dma_start3A_628, %dma_start3A_632, %dma_start3A_633] : memref<10x40x6400xf32, #tpu.memory_space<vmem>> -> memref<1x40x6400xf32, #tpu.memory_space<vmem>>
        %dma_start3A_635 = tpu.memref_squeeze %dma_start3A_634 : memref<1x40x6400xf32, #tpu.memory_space<vmem>> -> memref<40x6400xf32, #tpu.memory_space<vmem>>
        %dma_start3A_636 = arith.constant 0 : i32
        %dma_start3A_637 = tpu.memref_slice %arg3[%mul3A_627, %dma_start3A_636] : memref<10000x6400xf32, #tpu.memory_space<any>> -> memref<40x6400xf32, #tpu.memory_space<any>>
        tpu.enqueue_dma source(%dma_start3A_637 : memref<40x6400xf32, #tpu.memory_space<any>>) target(%dma_start3A_635 : memref<40x6400xf32, #tpu.memory_space<vmem>>) target_semaphore(%dma_start3A_631 : memref<!tpu.dma_semaphore, #tpu.memory_space<semaphore_mem>>)
      } else {
      }
      %mul3A_522 = arith.constant 10 : i32
      %mul3A_523 = arith.muli %scan3A_118, %mul3A_522 : i32
      %add3A_524 = arith.constant 8 : i32
      %add3A_525 = arith.addi %mul3A_523, %add3A_524 : i32
      %mul3A_526 = arith.constant 40 : i32
      %mul3A_527 = arith.muli %add3A_525, %mul3A_526 : i32
      %dma_wait3A_528 = arith.constant 8 : i32
      %dma_wait3A_529 = arith.constant 8 : i32
      %dma_wait3A_530 = tpu.memref_slice %arg6[%dma_wait3A_529] : memref<10x!tpu.dma_semaphore, #tpu.memory_space<semaphore_mem>> -> memref<1x!tpu.dma_semaphore, #tpu.memory_space<semaphore_mem>>
      %dma_wait3A_531 = tpu.memref_squeeze %dma_wait3A_530 : memref<1x!tpu.dma_semaphore, #tpu.memory_space<semaphore_mem>> -> memref<!tpu.dma_semaphore, #tpu.memory_space<semaphore_mem>>
      %dma_wait3A_532 = arith.constant 0 : i32
      %dma_wait3A_533 = arith.constant 0 : i32
      %dma_wait3A_534 = tpu.memref_slice %arg5[%dma_wait3A_528, %dma_wait3A_532, %dma_wait3A_533] : memref<10x40x6400xf32, #tpu.memory_space<vmem>> -> memref<1x40x6400xf32, #tpu.memory_space<vmem>>
      %dma_wait3A_535 = tpu.memref_squeeze %dma_wait3A_534 : memref<1x40x6400xf32, #tpu.memory_space<vmem>> -> memref<40x6400xf32, #tpu.memory_space<vmem>>
      %dma_wait3A_536 = arith.constant 0 : i32
      %dma_wait3A_537 = tpu.memref_slice %arg3[%mul3A_527, %dma_wait3A_536] : memref<10000x6400xf32, #tpu.memory_space<any>> -> memref<40x6400xf32, #tpu.memory_space<any>>
      tpu.wait_dma2 semaphore(%dma_wait3A_531 : memref<!tpu.dma_semaphore, #tpu.memory_space<semaphore_mem>>) src(%dma_wait3A_537 : memref<40x6400xf32, #tpu.memory_space<any>>) dst(%dma_wait3A_535 : memref<40x6400xf32, #tpu.memory_space<vmem>>)
      %mul3A_538 = arith.constant 40 : i32
      %mul3A_539 = arith.muli %add3A_525, %mul3A_538 : i32
      %get3A_540 = arith.index_cast %mul3A_539 : i32 to index
      %get3A_541 = arith.constant 0 : index
      %get3A_542 = vector.load %arg0[%get3A_540, %get3A_541] : memref<10000x1xi32, #tpu.memory_space<vmem>>, vector<40x1xi32>
      %get3A_543 = arith.constant 8 : index
      %get3A_544 = arith.constant 0 : index
      %get3A_545 = arith.constant 0 : index
      %get3A_546 = vector.load %arg5[%get3A_543, %get3A_544, %get3A_545] : memref<10x40x6400xf32, #tpu.memory_space<vmem>>, vector<1x40x6400xf32>
      %get3A_547 = vector.shape_cast %get3A_546 : vector<1x40x6400xf32> to vector<40x6400xf32>
      %lt3A_548 = vector.broadcast %get3A_1 : vector<1x6400xi32> to vector<40x6400xi32>
      %lt3A_549 = vector.broadcast %get3A_542 : vector<40x1xi32> to vector<40x6400xi32>
      %lt3A_550 = arith.cmpi slt, %lt3A_548, %lt3A_549 : vector<40x6400xi32>
      %jit3A_551 = arith.constant 0.000000e+00 : f32
      %broadcast_in_dim3A_552 = vector.broadcast %jit3A_551 : f32 to vector<40x6400xf32>
      %select_n3A_553 = arith.select %lt3A_550, %get3A_547, %broadcast_in_dim3A_552 : vector<40x6400xi1>, vector<40x6400xf32>
      %dot_general3A_554 = arith.constant dense<0.000000e+00> : vector<40x64xf32>
      %dot_general3A_555 = tpu.matmul %select_n3A_553, %get3A_4, %dot_general3A_554 {dimension_numbers = #tpu.dot_dimension_numbers<[1], [0], [0], [1], [0, 0, 1, 1], [], []>, transpose_lhs_hint = false} : vector<40x6400xf32>, vector<6400x64xf32>, vector<40x64xf32> -> vector<40x64xf32>
      %max3A_556 = arith.constant 1 : i32
      %max3A_557 = vector.broadcast %max3A_556 : i32 to vector<40x1xi32>
      %max3A_558 = arith.maxsi %get3A_542, %max3A_557 : vector<40x1xi32>
      %convert_element_type3A_559 = arith.sitofp %max3A_558 : vector<40x1xi32> to vector<40x1xf32>
      %div3A_560 = vector.broadcast %convert_element_type3A_559 : vector<40x1xf32> to vector<40x64xf32>
      %div3A_561 = arith.divf %dot_general3A_555, %div3A_560 : vector<40x64xf32>
      %mul3A_562 = arith.constant 40 : i32
      %mul3A_563 = arith.muli %add3A_525, %mul3A_562 : i32
      %swap3A_564 = arith.index_cast %mul3A_563 : i32 to index
      %swap3A_565 = arith.constant 0 : index
      %swap3A_566 = vector.load %arg4[%swap3A_564, %swap3A_565] : memref<10000x64xf32, #tpu.memory_space<vmem>>, vector<40x64xf32>
      tpu.vector_store %arg4[%swap3A_564, %swap3A_565], %div3A_561 {strides = array<i32>} : memref<10000x64xf32, #tpu.memory_space<vmem>>, vector<40x64xf32>,
      %add3A_567 = arith.constant 10 : i32
      %add3A_568 = arith.addi %add3A_525, %add3A_567 : i32
      %lt3A_569 = arith.constant 250 : i32
      %lt3A_570 = arith.cmpi slt, %add3A_568, %lt3A_569 : i32
      %convert_element_type3A_571 = arith.extui %lt3A_570 : i1 to i32
      %cond3A_572 = arith.constant 0 : i32
      %cond3A_573 = arith.cmpi ne, %convert_element_type3A_571, %cond3A_572 : i32
      scf.if %cond3A_573 {
        %mul3A_626 = arith.constant 40 : i32
        %mul3A_627 = arith.muli %add3A_568, %mul3A_626 : i32
        %dma_start3A_628 = arith.constant 8 : i32
        %dma_start3A_629 = arith.constant 8 : i32
        %dma_start3A_630 = tpu.memref_slice %arg6[%dma_start3A_629] : memref<10x!tpu.dma_semaphore, #tpu.memory_space<semaphore_mem>> -> memref<1x!tpu.dma_semaphore, #tpu.memory_space<semaphore_mem>>
        %dma_start3A_631 = tpu.memref_squeeze %dma_start3A_630 : memref<1x!tpu.dma_semaphore, #tpu.memory_space<semaphore_mem>> -> memref<!tpu.dma_semaphore, #tpu.memory_space<semaphore_mem>>
        %dma_start3A_632 = arith.constant 0 : i32
        %dma_start3A_633 = arith.constant 0 : i32
        %dma_start3A_634 = tpu.memref_slice %arg5[%dma_start3A_628, %dma_start3A_632, %dma_start3A_633] : memref<10x40x6400xf32, #tpu.memory_space<vmem>> -> memref<1x40x6400xf32, #tpu.memory_space<vmem>>
        %dma_start3A_635 = tpu.memref_squeeze %dma_start3A_634 : memref<1x40x6400xf32, #tpu.memory_space<vmem>> -> memref<40x6400xf32, #tpu.memory_space<vmem>>
        %dma_start3A_636 = arith.constant 0 : i32
        %dma_start3A_637 = tpu.memref_slice %arg3[%mul3A_627, %dma_start3A_636] : memref<10000x6400xf32, #tpu.memory_space<any>> -> memref<40x6400xf32, #tpu.memory_space<any>>
        tpu.enqueue_dma source(%dma_start3A_637 : memref<40x6400xf32, #tpu.memory_space<any>>) target(%dma_start3A_635 : memref<40x6400xf32, #tpu.memory_space<vmem>>) target_semaphore(%dma_start3A_631 : memref<!tpu.dma_semaphore, #tpu.memory_space<semaphore_mem>>)
      } else {
      }
      %mul3A_574 = arith.constant 10 : i32
      %mul3A_575 = arith.muli %scan3A_118, %mul3A_574 : i32
      %add3A_576 = arith.constant 9 : i32
      %add3A_577 = arith.addi %mul3A_575, %add3A_576 : i32
      %mul3A_578 = arith.constant 40 : i32
      %mul3A_579 = arith.muli %add3A_577, %mul3A_578 : i32
      %dma_wait3A_580 = arith.constant 9 : i32
      %dma_wait3A_581 = arith.constant 9 : i32
      %dma_wait3A_582 = tpu.memref_slice %arg6[%dma_wait3A_581] : memref<10x!tpu.dma_semaphore, #tpu.memory_space<semaphore_mem>> -> memref<1x!tpu.dma_semaphore, #tpu.memory_space<semaphore_mem>>
      %dma_wait3A_583 = tpu.memref_squeeze %dma_wait3A_582 : memref<1x!tpu.dma_semaphore, #tpu.memory_space<semaphore_mem>> -> memref<!tpu.dma_semaphore, #tpu.memory_space<semaphore_mem>>
      %dma_wait3A_584 = arith.constant 0 : i32
      %dma_wait3A_585 = arith.constant 0 : i32
      %dma_wait3A_586 = tpu.memref_slice %arg5[%dma_wait3A_580, %dma_wait3A_584, %dma_wait3A_585] : memref<10x40x6400xf32, #tpu.memory_space<vmem>> -> memref<1x40x6400xf32, #tpu.memory_space<vmem>>
      %dma_wait3A_587 = tpu.memref_squeeze %dma_wait3A_586 : memref<1x40x6400xf32, #tpu.memory_space<vmem>> -> memref<40x6400xf32, #tpu.memory_space<vmem>>
      %dma_wait3A_588 = arith.constant 0 : i32
      %dma_wait3A_589 = tpu.memref_slice %arg3[%mul3A_579, %dma_wait3A_588] : memref<10000x6400xf32, #tpu.memory_space<any>> -> memref<40x6400xf32, #tpu.memory_space<any>>
      tpu.wait_dma2 semaphore(%dma_wait3A_583 : memref<!tpu.dma_semaphore, #tpu.memory_space<semaphore_mem>>) src(%dma_wait3A_589 : memref<40x6400xf32, #tpu.memory_space<any>>) dst(%dma_wait3A_587 : memref<40x6400xf32, #tpu.memory_space<vmem>>)
      %mul3A_590 = arith.constant 40 : i32
      %mul3A_591 = arith.muli %add3A_577, %mul3A_590 : i32
      %get3A_592 = arith.index_cast %mul3A_591 : i32 to index
      %get3A_593 = arith.constant 0 : index
      %get3A_594 = vector.load %arg0[%get3A_592, %get3A_593] : memref<10000x1xi32, #tpu.memory_space<vmem>>, vector<40x1xi32>
      %get3A_595 = arith.constant 9 : index
      %get3A_596 = arith.constant 0 : index
      %get3A_597 = arith.constant 0 : index
      %get3A_598 = vector.load %arg5[%get3A_595, %get3A_596, %get3A_597] : memref<10x40x6400xf32, #tpu.memory_space<vmem>>, vector<1x40x6400xf32>
      %get3A_599 = vector.shape_cast %get3A_598 : vector<1x40x6400xf32> to vector<40x6400xf32>
      %lt3A_600 = vector.broadcast %get3A_1 : vector<1x6400xi32> to vector<40x6400xi32>
      %lt3A_601 = vector.broadcast %get3A_594 : vector<40x1xi32> to vector<40x6400xi32>
      %lt3A_602 = arith.cmpi slt, %lt3A_600, %lt3A_601 : vector<40x6400xi32>
      %jit3A_603 = arith.constant 0.000000e+00 : f32
      %broadcast_in_dim3A_604 = vector.broadcast %jit3A_603 : f32 to vector<40x6400xf32>
      %select_n3A_605 = arith.select %lt3A_602, %get3A_599, %broadcast_in_dim3A_604 : vector<40x6400xi1>, vector<40x6400xf32>
      %dot_general3A_606 = arith.constant dense<0.000000e+00> : vector<40x64xf32>
      %dot_general3A_607 = tpu.matmul %select_n3A_605, %get3A_4, %dot_general3A_606 {dimension_numbers = #tpu.dot_dimension_numbers<[1], [0], [0], [1], [0, 0, 1, 1], [], []>, transpose_lhs_hint = false} : vector<40x6400xf32>, vector<6400x64xf32>, vector<40x64xf32> -> vector<40x64xf32>
      %max3A_608 = arith.constant 1 : i32
      %max3A_609 = vector.broadcast %max3A_608 : i32 to vector<40x1xi32>
      %max3A_610 = arith.maxsi %get3A_594, %max3A_609 : vector<40x1xi32>
      %convert_element_type3A_611 = arith.sitofp %max3A_610 : vector<40x1xi32> to vector<40x1xf32>
      %div3A_612 = vector.broadcast %convert_element_type3A_611 : vector<40x1xf32> to vector<40x64xf32>
      %div3A_613 = arith.divf %dot_general3A_607, %div3A_612 : vector<40x64xf32>
      %mul3A_614 = arith.constant 40 : i32
      %mul3A_615 = arith.muli %add3A_577, %mul3A_614 : i32
      %swap3A_616 = arith.index_cast %mul3A_615 : i32 to index
      %swap3A_617 = arith.constant 0 : index
      %swap3A_618 = vector.load %arg4[%swap3A_616, %swap3A_617] : memref<10000x64xf32, #tpu.memory_space<vmem>>, vector<40x64xf32>
      tpu.vector_store %arg4[%swap3A_616, %swap3A_617], %div3A_613 {strides = array<i32>} : memref<10000x64xf32, #tpu.memory_space<vmem>>, vector<40x64xf32>,
      %add3A_619 = arith.constant 10 : i32
      %add3A_620 = arith.addi %add3A_577, %add3A_619 : i32
      %lt3A_621 = arith.constant 250 : i32
      %lt3A_622 = arith.cmpi slt, %add3A_620, %lt3A_621 : i32
      %convert_element_type3A_623 = arith.extui %lt3A_622 : i1 to i32
      %cond3A_624 = arith.constant 0 : i32
      %cond3A_625 = arith.cmpi ne, %convert_element_type3A_623, %cond3A_624 : i32
      scf.if %cond3A_625 {
        %mul3A_626 = arith.constant 40 : i32
        %mul3A_627 = arith.muli %add3A_620, %mul3A_626 : i32
        %dma_start3A_628 = arith.constant 9 : i32
        %dma_start3A_629 = arith.constant 9 : i32
        %dma_start3A_630 = tpu.memref_slice %arg6[%dma_start3A_629] : memref<10x!tpu.dma_semaphore, #tpu.memory_space<semaphore_mem>> -> memref<1x!tpu.dma_semaphore, #tpu.memory_space<semaphore_mem>>
        %dma_start3A_631 = tpu.memref_squeeze %dma_start3A_630 : memref<1x!tpu.dma_semaphore, #tpu.memory_space<semaphore_mem>> -> memref<!tpu.dma_semaphore, #tpu.memory_space<semaphore_mem>>
        %dma_start3A_632 = arith.constant 0 : i32
        %dma_start3A_633 = arith.constant 0 : i32
        %dma_start3A_634 = tpu.memref_slice %arg5[%dma_start3A_628, %dma_start3A_632, %dma_start3A_633] : memref<10x40x6400xf32, #tpu.memory_space<vmem>> -> memref<1x40x6400xf32, #tpu.memory_space<vmem>>
        %dma_start3A_635 = tpu.memref_squeeze %dma_start3A_634 : memref<1x40x6400xf32, #tpu.memory_space<vmem>> -> memref<40x6400xf32, #tpu.memory_space<vmem>>
        %dma_start3A_636 = arith.constant 0 : i32
        %dma_start3A_637 = tpu.memref_slice %arg3[%mul3A_627, %dma_start3A_636] : memref<10000x6400xf32, #tpu.memory_space<any>> -> memref<40x6400xf32, #tpu.memory_space<any>>
        tpu.enqueue_dma source(%dma_start3A_637 : memref<40x6400xf32, #tpu.memory_space<any>>) target(%dma_start3A_635 : memref<40x6400xf32, #tpu.memory_space<vmem>>) target_semaphore(%dma_start3A_631 : memref<!tpu.dma_semaphore, #tpu.memory_space<semaphore_mem>>)
      } else {
      }
    }
    %scan3A_117 = arith.constant 25 : i32
    return
  }
}

</mosaic_0001>

<sc_bundles>
// kernel: _run.4.cloned.1.call-start
scs
__scs_entry_jumppad:
0x0: {  	(pc) =	sbr.rel $0x88, $3  }
0x1: {  	(tag) =	ssettag $0x0;
	lr =	simm.s32 $0x1  }
0x2: {  	[smem:$0x3F9B] =	sst lr;
	_ =	strace $0xD0000000  }
0x3: {  	_ = 	snop  }
0x4: {  	_ = 	snop  }
0x5: {  	_ = 	snop  }
0x6: {  	_ = 	snop  }
0x7: {  	_ = 	snop  }
__scs_overlays_trampoline_lowered:
0x8: {  	[smem:$0x3FAA] =	sst s0  }
0x9: {  	[smem:$0x3FAB] =	sst s1  }
0xa: {  	[smem:$0x3FAC] =	sst s2  }
0xb: {  	[smem:$0x3FAD] =	sst s3  }
0xc: {  	[smem:$0x3FAE] =	sst s4  }
0xd: {  	[smem:$0x3FAF] =	sst s5  }
0xe: {  	[smem:$0x3FB0] =	sst s6  }
0xf: {  	[smem:$0x3FB1] =	sst s7  }
0x10: {  	[smem:$0x3FB2] =	sst s8  }
0x11: {  	[smem:$0x3FB3] =	sst s9;
	s0 =	simm.s32 @!p0 $0x0  }
0x12: {  	s1 =	sld [smem:$0x3F99];
	s0 =	simm.s32 @p0 $0x1  }
0x13: {  	[smem:$0x3FB4] =	sst s0;
	s0 =	simm.s32 @!p1 $0x0  }
0x14: {  	s2 =	sld [smem:$0x3F98];
	s0 =	simm.s32 @p1 $0x1  }
0x15: {  	[smem:$0x3FB5] =	sst s0;
	s0 =	simm.s32 @!p2 $0x0  }
0x16: {  	s3 =	sld [smem:$0x3FDB];
	s0 =	simm.s32 @p2 $0x1  }
0x17: {  	s4 =	simm.s32 $0x1BF5;
	[smem:$0x3FB7] =	sst s0  }
0x18: {  	s0 =	sld [smem:$0x3F9A];
	_ =	swait.ge [sflag:s4], $0x0  }
0x19: {  	s7 =	sld [smem:$0x3F9B]  }
0x1a: {  	s8 =	sadd.s32 $0xFFFFE003, lr  }
0x1b: {  	s9 =	sadd.s32 $0xFFFFFEF7, lr;
	s5 =	simm.s32 $0xFFFFFFFF;
	p2 =	slt.u32 s8, $0xFFFFF086  }
0x1c: {  	p1 =	slt.u32 s9, $0xF7A;
	s5 =	simm.s32 @!p2 $0x0  }
0x1d: {  	s5 =	simm.s32 @p1 $0x1;
	p0 =	seq.s32 s7, s2  }
0x1e: {  	s7 =	smul.u32 @!p0 $0xF7A, s2;
	p2 =	seq.s32 @!p0 s5, $0x0  }
0x1f: {  	s9 =	smul.u32 $0xF7A, s1;
	s8 =	simm.s32 @!p0 $0x1BF5;
	p2 =	por !p2, p0  }
0x20: {  	[sflag:s8] =	ssyncset.s32 @!p0 $0xFFFFF086;
	s6 =	sadd.s32 @!p0 s3, s7;
	s7 =	simm.s32 @!p0 $0x108  }
0x21: {  	s3 =	sadd.s32 s3, s9;
	s6 =	sadd.s32 @!p0 $0x88, s6;
	s7 =	simm.s32 @p2 $0x1082  }
0x22: {  	[simem:s7], [sflag:s8] =	dma.local @!p0 [hbm:s6], $0xF7A  }
0x23: {  	s9 =	sor.u32 $0xD0000000, s2;
	s6 =	simm.s32 $0x108;
	_ =	swait.ge @!p0 [sflag:s8], $0x0  }
0x24: {  	s3 =	sadd.s32 $0x88, s3;
	s6 =	simm.s32 @!p1 $0x1082;
	[sflag:s4] =	ssyncset.s32 $0xFFFFF086  }
0x25: {  	[simem:s6], [sflag:s4] =	dma.local [hbm:s3], $0xF7A  }
0x26: {  	[smem:$0x3F9B] =	sst s1;
	(tag) =	ssettag s2;
	_ =	strace s9  }
0x27: {  	s1 =	sld [smem:$0x3FAB]  }
0x28: {  	s2 =	sld [smem:$0x3FAC]  }
0x29: {  	s4 =	sld [smem:$0x3FAE]  }
0x2a: {  	p0 =	seq.s32 s5, $0x0;
	s5 =	sld [smem:$0x3FAF]  }
0x2b: {  	s6 =	sld [smem:$0x3FB0]  }
0x2c: {  	s7 =	sld [smem:$0x3FB1]  }
0x2d: {  	s3 =	simm.s32 $0x108;
	s8 =	sld [smem:$0x3FB2]  }
0x2e: {  	s3 =	simm.s32 @!p0 $0x1082;
	s9 =	sld [smem:$0x3FB3]  }
0x2f: {  	lr =	sadd.s32 s0, s3;
	s0 =	sld [smem:$0x3FAA]  }
0x30: {  	s3 =	sld [smem:$0x3FAD]  }
0x31: {  	[smem:$0x3FB6] =	sst s10  }
0x32: {  	s10 =	sld [smem:$0x3FB4];
	_ =	sdelay $0x3  }
0x33: {  	p0 =	seq.s32 s10, $0x1;
	s10 =	sld [smem:$0x3FB6];
	_ =	sdelay $0x3  }
0x34: {  	[smem:$0x3FB6] =	sst s10  }
0x35: {  	s10 =	sld [smem:$0x3FB5];
	_ =	sdelay $0x3  }
0x36: {  	p1 =	seq.s32 s10, $0x1;
	s10 =	sld [smem:$0x3FB6];
	_ =	sdelay $0x3  }
0x37: {  	[smem:$0x3FB6] =	sst s10  }
0x38: {  	s10 =	sld [smem:$0x3FB7]  }
0x39: {  	_ = 	snop;
	(pc) =	sbr.ind lr, $3  }
0x3a: {  	_ = 	snop  }
0x3b: {  	_ = 	snop  }
0x3c: {  	p2 =	seq.s32 s10, $0x1;
	s10 =	sld [smem:$0x3FB6]  }
0x3d: {  	_ =	shalt  }
0x3e: {  	_ =	shalt  }
0x3f: {  	_ =	shalt  }
0x40: {  	_ =	shalt  }
0x41: {  	_ =	shalt  }
0x42: {  	_ =	shalt  }
0x43: {  	_ =	shalt  }
0x44: {  	_ =	shalt  }
0x45: {  	_ =	shalt  }
0x46: {  	_ =	shalt  }
0x47: {  	_ =	shalt  }
0x48: {  	_ =	shalt  }
0x49: {  	_ =	shalt  }
0x4a: {  	_ =	shalt  }
0x4b: {  	_ =	shalt  }
0x4c: {  	_ =	shalt  }
0x4d: {  	_ =	shalt  }
0x4e: {  	_ =	shalt  }
0x4f: {  	_ =	shalt  }
0x50: {  	_ =	shalt  }
0x51: {  	_ =	shalt  }
0x52: {  	_ =	shalt  }
0x53: {  	_ =	shalt  }
0x54: {  	_ =	shalt  }
0x55: {  	_ =	shalt  }
0x56: {  	_ =	shalt  }
0x57: {  	_ =	shalt  }
0x58: {  	_ =	shalt  }
0x59: {  	_ =	shalt  }
0x5a: {  	_ =	shalt  }
0x5b: {  	_ =	shalt  }
0x5c: {  	_ =	shalt  }
0x5d: {  	_ =	shalt  }
0x5e: {  	_ =	shalt  }
0x5f: {  	_ =	shalt  }
0x60: {  	_ =	shalt  }
0x61: {  	_ =	shalt  }
0x62: {  	_ =	shalt  }
0x63: {  	_ =	shalt  }
0x64: {  	_ =	shalt  }
0x65: {  	_ =	shalt  }
0x66: {  	_ =	shalt  }
0x67: {  	_ =	shalt  }
0x68: {  	_ =	shalt  }
0x69: {  	_ =	shalt  }
0x6a: {  	_ =	shalt  }
0x6b: {  	_ =	shalt  }
0x6c: {  	_ =	shalt  }
0x6d: {  	_ =	shalt  }
0x6e: {  	_ =	shalt  }
0x6f: {  	_ =	shalt  }
0x70: {  	_ =	shalt  }
0x71: {  	_ =	shalt  }
0x72: {  	_ =	shalt  }
0x73: {  	_ =	shalt  }
0x74: {  	_ =	shalt  }
0x75: {  	_ =	shalt  }
0x76: {  	_ =	shalt  }
0x77: {  	_ =	shalt  }
0x78: {  	_ =	shalt  }
0x79: {  	_ =	shalt  }
0x7a: {  	_ =	shalt  }
0x7b: {  	_ =	shalt  }
0x7c: {  	_ =	shalt  }
0x7d: {  	_ =	shalt  }
0x7e: {  	_ =	shalt  }
0x7f: {  	_ =	shalt  }
0x80: {  	_ =	shalt  }
0x81: {  	_ =	shalt  }
0x82: {  	_ =	shalt  }
0x83: {  	_ =	shalt  }
0x84: {  	_ =	shalt  }
0x85: {  	_ =	shalt  }
0x86: {  	_ =	shalt  }
0x87: {  	_ =	shalt  }
.Lfunc_end0:
.L_simem_size_0:
called_computation_lowered:
.L_overlay_start_0:
0x88: {  	s2 =	sld [smem:$0x3FD9]  }
0x89: {  	s3 =	sld [smem:$0x3FFE];
	_ =	sdelay $0x1  }
0x8a: {  	s1 =	srdreg.scid  }
0x8b: {  	s0 =	sand.u32 $0x1, s1  }
0x8c: {  	s17 =	sshll.u32 s0, $0xA;
	s2 =	sadd.s32 s3, s2  }
0x8d: {  	s2 =	sadd.s32 s2, s17  }
0x8e: {  	[smem:$0x3FC2] =	sst s2  }
0x8f: {  	_ = 	snop  }
0x90: {  	s2 =	sld [smem:$0x3FC9]  }
0x91: {  	s18 =	sld [smem:$0x3FC7]  }
0x92: {  	s4 =	sld [smem:$0x3FD0];
	(tm) =	ssettm $0x1  }
0x93: {  	s5 =	sld [smem:$0x3FFB];
	_ =	sdelay $0x3  }
0x94: {  	_ =	strace s5  }
0x95: {  	s5 =	sld [smem:$0x3FFC];
	_ =	sdelay $0x3  }
0x96: {  	_ =	strace s5  }
0x97: {  	s5 =	sld [smem:$0x3FFD];
	_ =	sdelay $0x3  }
0x98: {  	_ =	strace s5  }
0x99: {  	_ =	strace $0x8FFFFFFF  }
0x9a: {  	s19 =	sld [smem:$0x3FDB];
	_ =	sdelay $0x1  }
0x9b: {  	s6 =	simm.s32 $_scs_section_size  }
0x9c: {  	s7 =	simm.s32 $_size__tile_overlayer_lowered;
	s8 =	simm.s32 $_tile_overlayer_lowered  }
0x9d: {  	s22 =	simm.s32 $0x1BFF;
	s21 =	sshll.u32 s8, $0x1;
	s5 =	sadd.s32 s6, s19  }
0x9e: {  	s9 =	simm.s32 $0x0;
	s20 =	sshll.u32 s7, $0x1;
	s7 =	sadd.s32 s21, s5  }
0x9f: {  	[timem:s9], [sflag:s22] =	dma.local [hbm:s7], s20  }
0xa0: {  	_ =	swait.ge [sflag:s22], s20  }
0xa1: {  	s6 =	ssub.s32 $0x0, s20;
	[sflag:s22] =	ssyncset.done $0x0  }
0xa2: {  	[sflag:s22] =	ssyncadd.s32 s6;
	_ =	sdelay $0x1  }
0xa3: {  	s23 =	simm.s32 $0x1B8B  }
0xa4: {  	_ =	swait.ge [sflag:s23], $0x1  }
0xa5: {  	[sflag:s23] =	ssyncset.done $0x0  }
0xa6: {  	s25 =	simm.s32 $0x1B8E;
	s24 =	sld [smem:$0x3FFE];
	[sflag:s23] =	ssyncadd.s32 $0xFFFFFFFF  }
0xa7: {  	s26 =	simm.s32 $execute0_lowered;
	[smem:$0x3FD2] =	sst s25  }
0xa8: {  	s7 =	sshll.u32 s26, $0x1;
	_ =	strace $0x80000046;
	[dreg:$0x1] =	wrdreg $0xFFFFFFFF  }
0xa9: {  	s28 =	simm.s32 $_size_execute0_lowered;
	s5 =	sadd.s32 s5, s7;
	[dreg:$0x0] =	wrdreg $0x0  }
0xaa: {  	s7 =	sshll.u32 s28, $0x1;
	[dreg:$0x2] =	wrdreg s5  }
0xab: {  	[dreg:$0x3] =	wrdreg s7  }
0xac: {  	[dreg:$0x4] =	wrdreg $0xC0  }
0xad: {  	_ =	task [dreg:s9], $0x5FFFF  }
0xae: {  	[dreg:$0x1] =	wrdreg $0xFFFFFFFF  }
0xaf: {  	[dreg:$0x0] =	wrdreg $0x60  }
0xb0: {  	[dreg:$0x2] =	wrdreg s24  }
0xb1: {  	[dreg:$0x3] =	wrdreg s2  }
0xb2: {  	[dreg:$0x4] =	wrdreg s18  }
0xb3: {  	[dreg:$0x5] =	wrdreg s4  }
0xb4: {  	[dreg:$0x6] =	wrdreg $0x9  }
0xb5: {  	_ =	task.clear_ibuf [dreg:s9], $0x7FFFF;
	_ =	strace $0x90000046  }
0xb6: {  	s29 =	simm.s32 $0x9;
	_ =	strace $0x80000048  }
0xb7: {  	_ =	swait.ge [sflag:s29], $0x1  }
0xb8: {  	[sflag:s29] =	ssyncadd.s32 $0xFFFFFFFF  }
0xb9: {  	_ =	strace $0x90000048  }
0xba: {  	_ =	sfence  }
0xbb: {  	s30 =	sld [smem:$0x0];
	_ =	sdelay $0x2  }
0xbc: {  	s31 =	sshll.u32 s1, $0xD;
	s1 =	sshrl.u32 s1, $0x2  }
0xbd: {  	s3 =	sand.u32 $0x4000, s31;
	s1 =	sadd.s32 s1, s30  }
0xbe: {  	s0 =	sor.u32 s3, s0;
	s1 =	sshll.u32 s1, $0x11  }
0xbf: {  	s0 =	sor.u32 s1, s0  }
0xc0: {  	s0 =	sadd.s32 $0x8F2B, s0  }
0xc1: {  	[sflag:s0] =	ssyncadd.remote.s32 $0x1  }
0xc2: {  	_ =	sfence.sel $0xFFFF  }
0xc3: {  	[dreg:$0x0] =	wrdreg $0xFFFFFFFF;
	(pc) =	sbr.abs _section_cstart, $3  }
0xc4: {  	[dreg:$0x1] =	wrdreg $0xFFFFFFFF  }
0xc5: {  	_ =	task.clear_ibuf [dreg:s9], $0x2FFFF;
	_ =	strace $0x9FFFFFFF  }
0xc6: {  	(tm) =	ssettm $0x7FFFFFFF  }
0xc7: {  	_ =	shalt  }
tec
execute0_lowered:
.L_overlay_start_1:
0x0: {  	(tag) =	ssettag $0x1  }
0x1: {  	s4 =	rddreg [dreg:$0x0]  }
0x2: {  	s5 =	rddreg [dreg:$0x1]  }
0x3: {  	s1 =	rddreg [dreg:$0x2]  }
0x4: {  	s6 =	rddreg [dreg:$0x3]  }
0x5: {  	s0 =	rddreg [dreg:$0x4];
	s7 =	srdreg.scid  }
0x6: {  	s3 =	simm.s32 $0x0;
	s2 =	stileid.u32;
	s11 =	simm.s32 $0x2910  }
0x7: {  	s12 =	simm.s32 $0x2B10;
	s13 =	simm.s32 $0x1;
	s14 =	simm.s32 $0x0  }
0x8: {  	s7 =	sand.u32 $0x1, s7;
	[smem:$0x7FF] =	sst s3;
	s8 =	sshll.u32 s2, $0xA  }
0x9: {  	s4 =	sadd.s32 $0xC00, s4;
	s9 =	sshll.u32 s7, $0x9;
	s7 =	ssub.s32 $0x2, s7  }
0xa: {  	_ =	strace $0x80000047;
	s8 =	sor.u32 s9, s8;
	s30 =	sshrl.u32 s7, $0x1  }
0xb: {  	s9 =	simm.s32 $0x2;
	s10 =	sshrl.u32 s8, $0x3;
	s7 =	ssub.s32 s7, s30  }
0xc: {  	s31 =	sshll.u32 s8, $0x3;
	s8 =	sadd.s32 $0x2710, s8;
	s5 =	sadd.s32 s5, s10  }
0xd: {  	v0 =	vlaneseq.u32;
	s6 =	sadd.s32 s6, s31;
	s7 =	smax.u32 s7, $0x1;
	s10 =	simm.s32 $0x200  }
.LBB2_1:
0xe: {  	[tilespmem:s3], [sflag:$0x2] =	stream.linear.gather [hbm4b:s5+s3], $0x200, $0x38;
	[tilespmem:$0xAB10] =	vst v63  }
0xf: {  	_ =	swait.ge [sflag:s9], $0x200  }
0x10: {  	[sflag:s9] =	ssyncset.done $0x0  }
0x11: {  	[sflag:s9] =	ssyncadd.s32 $0xFFFFFE00  }
0x12: {  	[tilespmem:s10], [sflag:$0x2] =	stream.linear.gather [hbm4b:s1+s3], $0x2710, $0x38;
	[tilespmem:$0xAB10] =	vst v63  }
0x13: {  	_ =	swait.ge [sflag:s9], $0x2710  }
0x14: {  	[sflag:s9] =	ssyncset.done $0x0  }
0x15: {  	s16 =	simm.s32 $0x0;
	[sflag:s9] =	ssyncadd.s32 $0xFFFFD8F0  }
0x16: {  	v2 =	vld [tilespmem:s16+$0x0];
	_ =	sdelay $0x5  }
0x17: {  	s15 =	simm.s32 $0x10  }
0x18: {  	v1 =	vld [tilespmem:s15+$0x0]  }
0x19: {  	v3 =	vld.idx.msk [tilespmem:v2+s10+$0x0], $0xffff;
	_ =	sdelay $0x4  }
0x1a: {  	v4 =	vor.u32 s8, v0;
	vm0 =	vgt.s32 v3, $0x0  }
0x1b: {  	v2 =	vsel vm0, v2, v4  }
0x1c: {  	[tilespmem:s16+$0x2910] =	vst v2  }
0x1d: {  	s18 =	simm.s32 $0xC0;
	s17 =	smov.u32 s8;
	s16 =	simm.s32 $0x20;
	v2 =	vld.idx.msk [tilespmem:v1+s10+$0x0], $0xffff  }
.LBB2_2:
0x1e: {  	p0 =	sne.s32 s18, $0x7C0;
	v3 =	vld [tilespmem:s16+$0x0];
	_ =	sdelay $0x3  }
.Ltmp0:
0x1f: {  	s17 =	sadd.s32 $0x10, s17;
	(pc) =	sbr.rel @p0 .LBB2_2-.Ltmp0, $4  }
0x20: {  	v4 =	vor.u32 s17, v0;
	vm0 =	vgt.s32 v2, $0x0  }
0x21: {  	v2 =	vsel vm0, v1, v4;
	v1 =	vmov v3  }
0x22: {  	[tilespmem:s15+$0x2910] =	vst v2;
	s15 =	smov.u32 s16  }
0x23: {  	s16 =	sshra.s32 s18, $0x2;
	s18 =	sadd.s32 $0x40, s18;
	v2 =	vld.idx.msk [tilespmem:v3+s10+$0x0], $0xffff  }
0x24: {  	v3 =	vld [tilespmem:s16+$0x0];
	_ =	sdelay $0x3  }
0x25: {  	s17 =	sadd.s32 $0x10, s17  }
0x26: {  	v4 =	vor.u32 s17, v0;
	vm0 =	vgt.s32 v2, $0x0  }
0x27: {  	v1 =	vsel vm0, v1, v4  }
0x28: {  	[tilespmem:s15+$0x2910] =	vst v1  }
0x29: {  	v1 =	vld.idx.msk [tilespmem:v3+s10+$0x0], $0xffff;
	_ =	sdelay $0x3  }
0x2a: {  	s31 =	sadd.s32 $0x10, s17  }
0x2b: {  	v2 =	vor.u32 s31, v0;
	vm15 =	vgt.s32 v1, $0x0  }
0x2c: {  	v1 =	vsel vm15, v3, v2  }
0x2d: {  	[tilespmem:s16+$0x2910] =	vst v1  }
0x2e: {  	[tilespmem:s12], [sflag:$0x1] =	stream.indirect.gather [hbm4b:s4+s10], $0x40, s11, s10, $0xb8;
	[tilespmem:$0xAB10] =	vst v63  }
0x2f: {  	s14 =	sadd.s32 $0x1, s14;
	_ =	swait.ge [sflag:s13], $0x8000  }
0x30: {  	p0 =	sne.s32 s14, s7;
	[sflag:s13] =	ssyncset.done $0x0  }
.Ltmp1:
0x31: {  	[sflag:s13] =	ssyncadd.s32 $0xFFFF8000;
	(pc) =	sbr.rel @p0 .LBB2_1-.Ltmp1, $4  }
0x32: {  	[hbm4b:s6+s3] =	stream.linear.scatter [tilespmem:s12], [sflag:$0x2], $0x8000, $0x38;
	[tilespmem:$0xAB10] =	vst v63  }
0x33: {  	_ =	swait.ge [sflag:s9], $0x8000  }
0x34: {  	[sflag:s9] =	ssyncset.done $0x0  }
0x35: {  	[sflag:s9] =	ssyncadd.s32 $0xFFFF8000  }
0x36: {  	_ =	sfence.sel $0x180000  }
0x37: {  	[bflag:$0x0] =	sbarrier.arrive $0xFFFF  }
0x38: {  	p0 =	sne.s32 s2, $0x0;
	_ =	strace $0x90000047  }
0x39: {  	s0 =	sadd.s32 @!p0 $0x100000, s0;
	[bflag:$0x2] =	sbarrier.arrive $0xFFFF  }
0x3a: {  	[sflag:s0] =	ssyncadd.tile.s32 @!p0 $0x1;
	_ =	shalt  }
.Lfunc_end2:
_tile_overlayer_lowered:
.L_overlay_start_2:
0x3b: {  	(tag) =	ssettag $0x2  }
0x3c: {  	s0 =	rddreg [dreg:$0x0];
	s2 =	stileid.u32  }
0x3d: {  	s1 =	rddreg [dreg:$0x1];
	p0 =	sne.s32 s2, $0x0  }
0x3e: {  	s3 =	rddreg [dreg:$0x2];
	[bflag:$0x3] =	sbarrier.arrive $0xFFFF;
	s2 =	simm.s32 @!p0 $0x1C02  }
0x3f: {  	[timem:s3], [sflag:s2] =	dma.local @!p0 [hbm:s0], s1  }
0x40: {  	s0 =	simm.s32 @!p0 $0x2  }
0x41: {  	_ =	swait.ge @!p0 [sflag:s0], s1  }
0x42: {  	s1 =	ssub.s32 @!p0 $0x0, s1;
	[sflag:s0] =	ssyncset.done @!p0 $0x0  }
0x43: {  	[sflag:s0] =	ssyncadd.s32 @!p0 s1  }
0x44: {  	[bflag:$0x3] =	sbarrier.arrive $0xFFFF  }
0x45: {  	_ =	shalt  }

</sc_bundles>
